<compile_context>
chip_gen: v7x
topology: tpu7x:2x2x1
jax: 0.10.2.dev20260603
libtpu: 0.0.44.dev20260713+nightly
codegen_flags: <defaults>
</compile_context>

<pallas_src>
import functools

import jax
import jax.numpy as jnp
from jax import lax
from jax.experimental import pallas as pl
from jax.experimental.pallas import tpu as pltpu
from jax.experimental.pallas import tpu_sc as plsc

NCLS = 22
CHUNK = 128
PITCH = 128


def _rup8(x):
    return ((x + 7) // 8) * 8


def _div20(x):
    return ((x >> 2) * 13108) >> 16


def _tc_relayout(tt):
    d, n = tt.shape
    BC = 2048
    nb = (n + BC - 1) // BC

    def body(in_ref, out_ref):
        out_ref[:, :d] = in_ref[...].T

    return pl.pallas_call(
        body,
        grid=(nb,),
        in_specs=[pl.BlockSpec((d, BC), lambda i: (0, i))],
        out_specs=pl.BlockSpec((BC, PITCH), lambda i: (i, 0)),
        out_shape=jax.ShapeDtypeStruct((nb * BC, PITCH), tt.dtype),
    )(tt)


def _sc_gather_one(tab_r, idxt_r, qvec2d, h, w, L, with_minmax):
    info = plsc.get_sparse_core_info()
    NC, NS, LN = info.num_cores, info.num_subcores, info.num_lanes
    NW = NC * NS
    hb = h // NW
    n_chunks = hb // CHUNK
    cw = CHUNK * w
    pt_ = _rup8(w)
    mesh = plsc.VectorSubcoreMesh(core_axis_name="c", subcore_axis_name="s")

    out_type = [jax.ShapeDtypeStruct((h, pt_), jnp.float32)]
    scratch = [
        pltpu.VMEM((1, 128), jnp.int32),
        pltpu.VMEM((CHUNK, PITCH), jnp.float32),
        pltpu.VMEM((CHUNK, PITCH), jnp.int32),
        pltpu.VMEM((hb, pt_), jnp.float32),
    ]
    if with_minmax:
        out_type += [jax.ShapeDtypeStruct((NW, LN), jnp.float32),
                     jax.ShapeDtypeStruct((NW, LN), jnp.float32)]
        scratch += [pltpu.VMEM((LN,), jnp.float32),
                    pltpu.VMEM((LN,), jnp.float32)]
    scratch.append(pltpu.SemaphoreType.DMA)

    @functools.partial(
        pl.kernel,
        out_type=tuple(out_type),
        mesh=mesh,
        compiler_params=pltpu.CompilerParams(needs_layout_passes=False,
                                             use_tc_tiling_on_sc=False),
        scratch_types=tuple(scratch),
    )
    def k(tab_hbm, idxt_hbm, qvec_hbm, *rest):
        if with_minmax:
            (tab_g, mins, maxs,
             idx_s, tab_rows, idxt_rows, tab_o, min_v, max_v, sem) = rest
        else:
            tab_g, idx_s, tab_rows, idxt_rows, tab_o, sem = rest
        wid = lax.axis_index("s") * NC + lax.axis_index("c")
        inf = jnp.full((LN,), jnp.inf, dtype=jnp.float32)
        zero = jnp.zeros((LN,), dtype=jnp.float32)
        iota = lax.broadcasted_iota(jnp.int32, (LN,), 0)
        vmin, vmax = inf, -inf
        for ch in range(n_chunks):
            base_row = wid * hb + ch * CHUNK
            pltpu.sync_copy(qvec_hbm.at[pl.ds(base_row // 128, 1)], idx_s)
            cps = [
                pltpu.async_copy(tab_hbm.at[idx_s.at[0]], tab_rows, sem),
                pltpu.async_copy(idxt_hbm.at[pl.ds(base_row, CHUNK)],
                                 idxt_rows, sem),
            ]
            for cp in cps:
                cp.wait()

            def body(g, carry, _ch=ch):
                mn, mx = carry
                e = g * LN + iota
                p = _div20(e)
                j = e - 20 * p
                c = plsc.load_gather(idxt_rows, [p, j])
                inv = c >= L
                v = plsc.load_gather(tab_rows, [p, c])
                v = jnp.where(inv, zero, v)
                plsc.store_scatter(tab_o, [_ch * CHUNK + p, j], v)
                if with_minmax:
                    return jnp.minimum(mn, v), jnp.maximum(mx, v)
                return mn, mx

            vmin, vmax = lax.fori_loop(0, cw // LN, body, (vmin, vmax))

        pltpu.sync_copy(tab_o, tab_g.at[pl.ds(wid * hb, hb)])
        if with_minmax:
            min_v[...] = vmin
            max_v[...] = vmax
            pltpu.sync_copy(min_v, mins.at[wid])
            pltpu.sync_copy(max_v, maxs.at[wid])

    return k(tab_r, idxt_r, qvec2d)


def _tc_assemble(idx_tT, dist_gT, angle_gT, mins, maxs, h, w):
    out_w = NCLS * w + 2 * w
    BH = 2048
    grid = (h // BH,)
    pt_ = dist_gT.shape[0]

    def body(idx_ref, dist_ref, angle_ref, mins_ref, maxs_ref, out_ref):
        gmin = jnp.min(mins_ref[...])
        gmax = jnp.max(maxs_ref[...])
        scale = 1.0 / (gmax - gmin)
        idxf = idx_ref[...].astype(jnp.bfloat16)
        qj = lax.broadcasted_iota(jnp.int32, (NCLS * w, w), 0) // NCLS
        jj = lax.broadcasted_iota(jnp.int32, (NCLS * w, w), 1)
        sel = (qj == jj).astype(jnp.bfloat16)
        rep = jnp.dot(sel, idxf, preferred_element_type=jnp.float32)
        cls = (lax.broadcasted_iota(jnp.int32, (NCLS * w, BH), 0)
               % NCLS).astype(jnp.float32)
        out_ref[:NCLS * w, :] = (rep == cls).astype(jnp.float32)
        out_ref[NCLS * w:NCLS * w + w, :] = (
            dist_ref[...][:w, :] - gmin) * scale
        out_ref[NCLS * w + w:, :] = angle_ref[...][:w, :]

    return pl.pallas_call(
        body,
        grid=grid,
        in_specs=[
            pl.BlockSpec((w, BH), lambda i: (0, i)),
            pl.BlockSpec((pt_, BH), lambda i: (0, i)),
            pl.BlockSpec((pt_, BH), lambda i: (0, i)),
            pl.BlockSpec(mins.shape, lambda i: (0, 0)),
            pl.BlockSpec(maxs.shape, lambda i: (0, 0)),
        ],
        out_specs=pl.BlockSpec((out_w, BH), lambda i: (0, i)),
        out_shape=jax.ShapeDtypeStruct((out_w, h), jnp.float32),
    )(idx_tT, dist_gT, angle_gT, mins, maxs)


def kernel(dist, angle, idx_t, index_t, index_h):
    N, L = dist.shape
    h, w = idx_t.shape
    qvec2d = index_h.astype(jnp.int32).reshape(h // 128, 128)
    idxt_r = _tc_relayout(index_t.T)
    dist_r = _tc_relayout(dist.T)
    dist_g, mins, maxs = _sc_gather_one(dist_r, idxt_r, qvec2d, h, w, L,
                                        True)
    angle_r = _tc_relayout(angle.T)
    (angle_g,) = _sc_gather_one(angle_r, idxt_r, qvec2d, h, w, L, False)
    x_t = _tc_assemble(idx_t.T, dist_g.T, angle_g.T, mins, maxs, h, w)
    return x_t.T

# --- scband reference (transcript-rebuilt; emitter-appended) ---
"""Pipeline reference for scband-g-data-net-pdbname-58514634441020 (READ-ONLY COPY).

The authoritative reference and input builder live on the scoring server;
editing this copy changes nothing except your own understanding.
"""

import jax, jax.numpy as jnp
import numpy as np


def setup_inputs(seed: int = 0) -> dict:
    key = jax.random.key(seed)
    k1, k2, k3, k4, k5 = jax.random.split(key, 5)
    N, L = 100000, 50
    h, w = 16384, 20
    dist = jax.random.normal(k1, (N, L), dtype=jnp.float32)
    angle = jax.random.normal(k2, (N, L), dtype=jnp.float32)
    idx_t = jax.random.randint(k3, (h, w), 0, 22, dtype=jnp.int64 if jax.config.jax_enable_x64 else jnp.int32)
    index_t = jax.random.randint(k4, (h, w), 0, L + 1, dtype=jnp.int64 if jax.config.jax_enable_x64 else jnp.int32)
    # index_h is float-typed in the original module (it is matmul'ed with a float ones vector, then cast to long)
    index_h = jax.random.randint(k5, (h,), 0, N).astype(jnp.float32)
    return {"dist": dist, "angle": angle, "idx_t": idx_t, "index_t": index_t, "index_h": index_h}


def reference(dist, angle, idx_t, index_t, index_h):
    N, L = dist.shape
    h, w = idx_t.shape
    dist_00 = jnp.zeros_like(dist[:, 0])[:, None]
    angle_00 = jnp.zeros_like(angle[:, 0])[:, None]
    dist_new = jnp.concatenate((dist, dist_00), axis=1)
    angle_new = jnp.concatenate((angle, angle_00), axis=1)
    a = index_h.reshape(-1, 1)
    b = jnp.ones((1, w), dtype=jnp.float32)
    ab = jnp.matmul(a, b).astype(jnp.int32)
    data_t = jnp.eye(22, dtype=jnp.float32)
    dist_t = dist_new[ab, index_t]
    angle_t = angle_new[ab, index_t]
    x1 = jnp.take(data_t, idx_t.reshape(-1), axis=0).reshape(h, -1)
    dist_g = dist_t.reshape(h, -1)
    angle_g = angle_t.reshape(h, -1)
    dist_n = (dist_g - dist_g.min()) / (dist_g.max() - dist_g.min())
    angle_n = angle_g
    x = jnp.concatenate((x1, dist_n, angle_n), axis=1)
    return x

if __name__ == "__main__":
    import jax
    _d = setup_inputs()
    print(jax.jit(kernel)(*tuple(_d.values())))

</pallas_src>

<mosaic_0001>
#map = affine_map<(d0, d1) -> (0, 0)>
module attributes {stable_mosaic.version = 14 : i64} {
  func.func @k(%arg0: i32, %arg1: i32, %arg2: memref<100352x128xf32, #tpu.memory_space<hbm>>, %arg3: memref<16384x128xi32, #tpu.memory_space<hbm>>, %arg4: memref<128x128xi32, #tpu.memory_space<hbm>>, %arg5: memref<16384x24xf32, #tpu.memory_space<hbm>>, %arg6: memref<1x128xi32, #tpu.memory_space<vmem>>, %arg7: memref<128x128xf32, #tpu.memory_space<vmem>>, %arg8: memref<128x128xi32, #tpu.memory_space<vmem>>, %arg9: memref<512x24xf32, #tpu.memory_space<vmem>>, %arg10: memref<!tpu.dma_semaphore, #tpu.memory_space<semaphore_mem>>) attributes {dimension_semantics = [#tpu.dimension_semantics<core_parallel>, #tpu.dimension_semantics<subcore_parallel>], iteration_bounds = array<i64: 2, 16>, scalar_prefetch = 0 : i64, scratch_operands = 5 : i64, tpu.core_type = #tpu.core_type<sc_vector_subcore>, window_params = [{transform_indices = #map}, {transform_indices = #map}, {transform_indices = #map}, {transform_indices = #map}]} {
    %mul3A = arith.constant 2 : i32
    %mul3A_0 = arith.muli %arg1, %mul3A : i32
    %add3A = arith.addi %mul3A_0, %arg0 : i32
    %broadcast_in_dim3A = arith.constant 0x7F800000 : f32
    %broadcast_in_dim3A_1 = vector.broadcast %broadcast_in_dim3A : f32 to vector<16xf32>
    %broadcast_in_dim3A_2 = arith.constant 0.000000e+00 : f32
    %broadcast_in_dim3A_3 = vector.broadcast %broadcast_in_dim3A_2 : f32 to vector<16xf32>
    %iota3A = tpu.iota {dimensions = array<i32: 0>} : vector<16xi32>
    %neg3A = arith.constant 0.000000e+00 : f32
    %neg3A_4 = vector.broadcast %neg3A : f32 to vector<16xf32>
    %neg3A_5 = arith.subf %neg3A_4, %broadcast_in_dim3A_1 : vector<16xf32>
    %mul3A_6 = arith.constant 512 : i32
    %mul3A_7 = arith.muli %add3A, %mul3A_6 : i32
    %add3A_8 = arith.constant 0 : i32
    %add3A_9 = arith.addi %mul3A_7, %add3A_8 : i32
    %jit3A = arith.constant 128 : i32
    %div3A = arith.divsi %add3A_9, %jit3A : i32
    %sign3A = arith.constant 0 : i32
    %sign3A_10 = arith.cmpi sgt, %add3A_9, %sign3A : i32
    %sign3A_11 = arith.extui %sign3A_10 : i1 to i32
    %sign3A_12 = arith.constant 0 : i32
    %sign3A_13 = arith.cmpi slt, %add3A_9, %sign3A_12 : i32
    %sign3A_14 = arith.extui %sign3A_13 : i1 to i32
    %sign3A_15 = arith.subi %sign3A_11, %sign3A_14 : i32
    %sign3A_16 = arith.constant 0 : i32
    %sign3A_17 = arith.cmpi sgt, %jit3A, %sign3A_16 : i32
    %sign3A_18 = arith.extui %sign3A_17 : i1 to i32
    %sign3A_19 = arith.constant 0 : i32
    %sign3A_20 = arith.cmpi slt, %jit3A, %sign3A_19 : i32
    %sign3A_21 = arith.extui %sign3A_20 : i1 to i32
    %sign3A_22 = arith.subi %sign3A_18, %sign3A_21 : i32
    %ne3A = arith.cmpi ne, %sign3A_15, %sign3A_22 : i32
    %rem3A = arith.remsi %add3A_9, %jit3A : i32
    %ne3A_23 = arith.constant 0 : i32
    %ne3A_24 = arith.cmpi ne, %rem3A, %ne3A_23 : i32
    %and3A = arith.andi %ne3A, %ne3A_24 : i1
    %sub3A = arith.constant 1 : i32
    %sub3A_25 = arith.subi %div3A, %sub3A : i32
    %select_n3A = arith.select %and3A, %sub3A_25, %div3A : i32
    "tpu.region"() ({
      %run_scoped3A = tpu.sem_alloc : memref<!tpu.dma_semaphore, #tpu.memory_space<semaphore_mem>>
      %dma_start3A_217 = arith.constant 0 : i32
      %dma_start3A_218 = tpu.memref_slice %arg4[%select_n3A, %dma_start3A_217] : memref<128x128xi32, #tpu.memory_space<hbm>> -> memref<1x128xi32, #tpu.memory_space<hbm>>
      %dma_start3A_219 = arith.constant 0 : i32
      %dma_start3A_220 = tpu.memref_slice %arg4[%select_n3A, %dma_start3A_219] : memref<128x128xi32, #tpu.memory_space<hbm>> -> memref<1x128xi32, #tpu.memory_space<hbm>>
      tpu.enqueue_dma source(%dma_start3A_220 : memref<1x128xi32, #tpu.memory_space<hbm>>) target(%arg6 : memref<1x128xi32, #tpu.memory_space<vmem>>) target_semaphore(%run_scoped3A : memref<!tpu.dma_semaphore, #tpu.memory_space<semaphore_mem>>)
      %dma_wait3A_221 = arith.constant 0 : i32
      %dma_wait3A_222 = tpu.memref_slice %arg4[%select_n3A, %dma_wait3A_221] : memref<128x128xi32, #tpu.memory_space<hbm>> -> memref<1x128xi32, #tpu.memory_space<hbm>>
      %dma_wait3A_223 = arith.constant 0 : i32
      %dma_wait3A_224 = tpu.memref_slice %arg4[%select_n3A, %dma_wait3A_223] : memref<128x128xi32, #tpu.memory_space<hbm>> -> memref<1x128xi32, #tpu.memory_space<hbm>>
      tpu.wait_dma2 semaphore(%run_scoped3A : memref<!tpu.dma_semaphore, #tpu.memory_space<semaphore_mem>>) src(%dma_wait3A_224 : memref<1x128xi32, #tpu.memory_space<hbm>>) dst(%arg6 : memref<1x128xi32, #tpu.memory_space<vmem>>)
      tpu.yield
    }) : () -> ()
    %dma_start3A = arith.constant 0 : i32
    %dma_start3A_26 = arith.constant 0 : i32
    %dma_start3A_27 = tpu.memref_slice %arg6[%dma_start3A, %dma_start3A_26] : memref<1x128xi32, #tpu.memory_space<vmem>> -> memref<1x128xi32, #tpu.memory_space<vmem>>
    %dma_start3A_28 = tpu.memref_squeeze %dma_start3A_27 : memref<1x128xi32, #tpu.memory_space<vmem>> -> memref<128xi32, #tpu.memory_space<vmem>>
    %dma_start3A_29 = arith.constant 0 : i32
    %dma_start3A_30 = arith.constant 0 : i32
    %dma_start3A_31 = tpu.memref_slice %arg2[%dma_start3A_29, %dma_start3A_30] : memref<100352x128xf32, #tpu.memory_space<hbm>> -> memref<100352x128xf32, #tpu.memory_space<hbm>>
    tpu.enqueue_indirect_dma source(%dma_start3A_31 : memref<100352x128xf32, #tpu.memory_space<hbm>>) target(%arg7 : memref<128x128xf32, #tpu.memory_space<vmem>>) offsets(%dma_start3A_28 : memref<128xi32, #tpu.memory_space<vmem>>) semaphore(%arg10 : memref<!tpu.dma_semaphore, #tpu.memory_space<semaphore_mem>>)
    %dma_start3A_32 = arith.constant 0 : i32
    %dma_start3A_33 = tpu.memref_slice %arg3[%add3A_9, %dma_start3A_32] : memref<16384x128xi32, #tpu.memory_space<hbm>> -> memref<128x128xi32, #tpu.memory_space<hbm>>
    %dma_start3A_34 = arith.constant 0 : i32
    %dma_start3A_35 = tpu.memref_slice %arg3[%add3A_9, %dma_start3A_34] : memref<16384x128xi32, #tpu.memory_space<hbm>> -> memref<128x128xi32, #tpu.memory_space<hbm>>
    tpu.enqueue_dma source(%dma_start3A_35 : memref<128x128xi32, #tpu.memory_space<hbm>>) target(%arg8 : memref<128x128xi32, #tpu.memory_space<vmem>>) target_semaphore(%arg10 : memref<!tpu.dma_semaphore, #tpu.memory_space<semaphore_mem>>)
    %dma_wait3A = arith.constant 0 : i32
    %dma_wait3A_36 = arith.constant 0 : i32
    %dma_wait3A_37 = tpu.memref_slice %arg6[%dma_wait3A, %dma_wait3A_36] : memref<1x128xi32, #tpu.memory_space<vmem>> -> memref<1x128xi32, #tpu.memory_space<vmem>>
    %dma_wait3A_38 = tpu.memref_squeeze %dma_wait3A_37 : memref<1x128xi32, #tpu.memory_space<vmem>> -> memref<128xi32, #tpu.memory_space<vmem>>
    %dma_wait3A_39 = arith.constant 0 : i32
    %dma_wait3A_40 = arith.constant 0 : i32
    %dma_wait3A_41 = tpu.memref_slice %arg2[%dma_wait3A_39, %dma_wait3A_40] : memref<100352x128xf32, #tpu.memory_space<hbm>> -> memref<100352x128xf32, #tpu.memory_space<hbm>>
    tpu.wait_indirect_dma semaphore(%arg10 : memref<!tpu.dma_semaphore, #tpu.memory_space<semaphore_mem>>) src(%dma_wait3A_41 : memref<100352x128xf32, #tpu.memory_space<hbm>>) dst(%arg7 : memref<128x128xf32, #tpu.memory_space<vmem>>)
    %dma_wait3A_42 = arith.constant 0 : i32
    %dma_wait3A_43 = tpu.memref_slice %arg3[%add3A_9, %dma_wait3A_42] : memref<16384x128xi32, #tpu.memory_space<hbm>> -> memref<128x128xi32, #tpu.memory_space<hbm>>
    %dma_wait3A_44 = arith.constant 0 : i32
    %dma_wait3A_45 = tpu.memref_slice %arg3[%add3A_9, %dma_wait3A_44] : memref<16384x128xi32, #tpu.memory_space<hbm>> -> memref<128x128xi32, #tpu.memory_space<hbm>>
    tpu.wait_dma2 semaphore(%arg10 : memref<!tpu.dma_semaphore, #tpu.memory_space<semaphore_mem>>) src(%dma_wait3A_45 : memref<128x128xi32, #tpu.memory_space<hbm>>) dst(%arg8 : memref<128x128xi32, #tpu.memory_space<vmem>>)
    %scan3A = arith.constant 0 : i32
    %scan3A_46 = arith.constant 160 : i32
    %scan3A_47 = arith.addi %scan3A, %scan3A_46 : i32
    %scan3A_48 = arith.constant 1 : i32
    scf.for %scan3A_217 = %scan3A to %scan3A_47 step %scan3A_48  : i32 {
      %mul3A_218 = arith.constant 16 : i32
      %mul3A_219 = arith.muli %scan3A_217, %mul3A_218 : i32
      %add3A_220 = vector.broadcast %mul3A_219 : i32 to vector<16xi32>
      %add3A_221 = arith.addi %add3A_220, %iota3A : vector<16xi32>
      %shift_right_arithmetic3A = arith.constant 2 : i32
      %shift_right_arithmetic3A_222 = vector.broadcast %shift_right_arithmetic3A : i32 to vector<16xi32>
      %shift_right_arithmetic3A_223 = arith.shrsi %add3A_221, %shift_right_arithmetic3A_222 : vector<16xi32>
      %mul3A_224 = arith.constant 13108 : i32
      %mul3A_225 = vector.broadcast %mul3A_224 : i32 to vector<16xi32>
      %mul3A_226 = arith.muli %shift_right_arithmetic3A_223, %mul3A_225 : vector<16xi32>
      %shift_right_arithmetic3A_227 = arith.constant 16 : i32
      %shift_right_arithmetic3A_228 = vector.broadcast %shift_right_arithmetic3A_227 : i32 to vector<16xi32>
      %shift_right_arithmetic3A_229 = arith.shrsi %mul3A_226, %shift_right_arithmetic3A_228 : vector<16xi32>
      %mul3A_230 = arith.constant 20 : i32
      %mul3A_231 = vector.broadcast %mul3A_230 : i32 to vector<16xi32>
      %mul3A_232 = arith.muli %mul3A_231, %shift_right_arithmetic3A_229 : vector<16xi32>
      %sub3A_233 = arith.subi %add3A_221, %mul3A_232 : vector<16xi32>
      %gather3A = tpu.vector_load_idx %arg8[%shift_right_arithmetic3A_229, %sub3A_233] : memref<128x128xi32, #tpu.memory_space<vmem>>[vector<16xi32>, vector<16xi32>], vector<16xi32>,
      %ge3A = arith.constant 50 : i32
      %ge3A_234 = vector.broadcast %ge3A : i32 to vector<16xi32>
      %ge3A_235 = arith.cmpi sge, %gather3A, %ge3A_234 : vector<16xi32>
      %gather3A_236 = tpu.vector_load_idx %arg7[%shift_right_arithmetic3A_229, %gather3A] : memref<128x128xf32, #tpu.memory_space<vmem>>[vector<16xi32>, vector<16xi32>], vector<16xf32>,
      %select_n3A_237 = arith.select %ge3A_235, %broadcast_in_dim3A_3, %gather3A_236 : vector<16xi1>, vector<16xf32>
      %add3A_238 = arith.constant 0 : i32
      %add3A_239 = vector.broadcast %add3A_238 : i32 to vector<16xi32>
      %add3A_240 = arith.addi %add3A_239, %shift_right_arithmetic3A_229 : vector<16xi32>
      tpu.vector_store_idx %arg9[%add3A_240, %sub3A_233], %select_n3A_237 : memref<512x24xf32, #tpu.memory_space<vmem>>[vector<16xi32>, vector<16xi32>], vector<16xf32>,
    }
    %scan3A_49 = arith.constant 160 : i32
    %mul3A_50 = arith.constant 512 : i32
    %mul3A_51 = arith.muli %add3A, %mul3A_50 : i32
    %add3A_52 = arith.constant 128 : i32
    %add3A_53 = arith.addi %mul3A_51, %add3A_52 : i32
    %jit3A_54 = arith.constant 128 : i32
    %div3A_55 = arith.divsi %add3A_53, %jit3A_54 : i32
    %sign3A_56 = arith.constant 0 : i32
    %sign3A_57 = arith.cmpi sgt, %add3A_53, %sign3A_56 : i32
    %sign3A_58 = arith.extui %sign3A_57 : i1 to i32
    %sign3A_59 = arith.constant 0 : i32
    %sign3A_60 = arith.cmpi slt, %add3A_53, %sign3A_59 : i32
    %sign3A_61 = arith.extui %sign3A_60 : i1 to i32
    %sign3A_62 = arith.subi %sign3A_58, %sign3A_61 : i32
    %sign3A_63 = arith.constant 0 : i32
    %sign3A_64 = arith.cmpi sgt, %jit3A_54, %sign3A_63 : i32
    %sign3A_65 = arith.extui %sign3A_64 : i1 to i32
    %sign3A_66 = arith.constant 0 : i32
    %sign3A_67 = arith.cmpi slt, %jit3A_54, %sign3A_66 : i32
    %sign3A_68 = arith.extui %sign3A_67 : i1 to i32
    %sign3A_69 = arith.subi %sign3A_65, %sign3A_68 : i32
    %ne3A_70 = arith.cmpi ne, %sign3A_62, %sign3A_69 : i32
    %rem3A_71 = arith.remsi %add3A_53, %jit3A_54 : i32
    %ne3A_72 = arith.constant 0 : i32
    %ne3A_73 = arith.cmpi ne, %rem3A_71, %ne3A_72 : i32
    %and3A_74 = arith.andi %ne3A_70, %ne3A_73 : i1
    %sub3A_75 = arith.constant 1 : i32
    %sub3A_76 = arith.subi %div3A_55, %sub3A_75 : i32
    %select_n3A_77 = arith.select %and3A_74, %sub3A_76, %div3A_55 : i32
    "tpu.region"() ({
      %run_scoped3A = tpu.sem_alloc : memref<!tpu.dma_semaphore, #tpu.memory_space<semaphore_mem>>
      %dma_start3A_217 = arith.constant 0 : i32
      %dma_start3A_218 = tpu.memref_slice %arg4[%select_n3A_77, %dma_start3A_217] : memref<128x128xi32, #tpu.memory_space<hbm>> -> memref<1x128xi32, #tpu.memory_space<hbm>>
      %dma_start3A_219 = arith.constant 0 : i32
      %dma_start3A_220 = tpu.memref_slice %arg4[%select_n3A_77, %dma_start3A_219] : memref<128x128xi32, #tpu.memory_space<hbm>> -> memref<1x128xi32, #tpu.memory_space<hbm>>
      tpu.enqueue_dma source(%dma_start3A_220 : memref<1x128xi32, #tpu.memory_space<hbm>>) target(%arg6 : memref<1x128xi32, #tpu.memory_space<vmem>>) target_semaphore(%run_scoped3A : memref<!tpu.dma_semaphore, #tpu.memory_space<semaphore_mem>>)
      %dma_wait3A_221 = arith.constant 0 : i32
      %dma_wait3A_222 = tpu.memref_slice %arg4[%select_n3A_77, %dma_wait3A_221] : memref<128x128xi32, #tpu.memory_space<hbm>> -> memref<1x128xi32, #tpu.memory_space<hbm>>
      %dma_wait3A_223 = arith.constant 0 : i32
      %dma_wait3A_224 = tpu.memref_slice %arg4[%select_n3A_77, %dma_wait3A_223] : memref<128x128xi32, #tpu.memory_space<hbm>> -> memref<1x128xi32, #tpu.memory_space<hbm>>
      tpu.wait_dma2 semaphore(%run_scoped3A : memref<!tpu.dma_semaphore, #tpu.memory_space<semaphore_mem>>) src(%dma_wait3A_224 : memref<1x128xi32, #tpu.memory_space<hbm>>) dst(%arg6 : memref<1x128xi32, #tpu.memory_space<vmem>>)
      tpu.yield
    }) : () -> ()
    %dma_start3A_78 = arith.constant 0 : i32
    %dma_start3A_79 = arith.constant 0 : i32
    %dma_start3A_80 = tpu.memref_slice %arg6[%dma_start3A_78, %dma_start3A_79] : memref<1x128xi32, #tpu.memory_space<vmem>> -> memref<1x128xi32, #tpu.memory_space<vmem>>
    %dma_start3A_81 = tpu.memref_squeeze %dma_start3A_80 : memref<1x128xi32, #tpu.memory_space<vmem>> -> memref<128xi32, #tpu.memory_space<vmem>>
    %dma_start3A_82 = arith.constant 0 : i32
    %dma_start3A_83 = arith.constant 0 : i32
    %dma_start3A_84 = tpu.memref_slice %arg2[%dma_start3A_82, %dma_start3A_83] : memref<100352x128xf32, #tpu.memory_space<hbm>> -> memref<100352x128xf32, #tpu.memory_space<hbm>>
    tpu.enqueue_indirect_dma source(%dma_start3A_84 : memref<100352x128xf32, #tpu.memory_space<hbm>>) target(%arg7 : memref<128x128xf32, #tpu.memory_space<vmem>>) offsets(%dma_start3A_81 : memref<128xi32, #tpu.memory_space<vmem>>) semaphore(%arg10 : memref<!tpu.dma_semaphore, #tpu.memory_space<semaphore_mem>>)
    %dma_start3A_85 = arith.constant 0 : i32
    %dma_start3A_86 = tpu.memref_slice %arg3[%add3A_53, %dma_start3A_85] : memref<16384x128xi32, #tpu.memory_space<hbm>> -> memref<128x128xi32, #tpu.memory_space<hbm>>
    %dma_start3A_87 = arith.constant 0 : i32
    %dma_start3A_88 = tpu.memref_slice %arg3[%add3A_53, %dma_start3A_87] : memref<16384x128xi32, #tpu.memory_space<hbm>> -> memref<128x128xi32, #tpu.memory_space<hbm>>
    tpu.enqueue_dma source(%dma_start3A_88 : memref<128x128xi32, #tpu.memory_space<hbm>>) target(%arg8 : memref<128x128xi32, #tpu.memory_space<vmem>>) target_semaphore(%arg10 : memref<!tpu.dma_semaphore, #tpu.memory_space<semaphore_mem>>)
    %dma_wait3A_89 = arith.constant 0 : i32
    %dma_wait3A_90 = arith.constant 0 : i32
    %dma_wait3A_91 = tpu.memref_slice %arg6[%dma_wait3A_89, %dma_wait3A_90] : memref<1x128xi32, #tpu.memory_space<vmem>> -> memref<1x128xi32, #tpu.memory_space<vmem>>
    %dma_wait3A_92 = tpu.memref_squeeze %dma_wait3A_91 : memref<1x128xi32, #tpu.memory_space<vmem>> -> memref<128xi32, #tpu.memory_space<vmem>>
    %dma_wait3A_93 = arith.constant 0 : i32
    %dma_wait3A_94 = arith.constant 0 : i32
    %dma_wait3A_95 = tpu.memref_slice %arg2[%dma_wait3A_93, %dma_wait3A_94] : memref<100352x128xf32, #tpu.memory_space<hbm>> -> memref<100352x128xf32, #tpu.memory_space<hbm>>
    tpu.wait_indirect_dma semaphore(%arg10 : memref<!tpu.dma_semaphore, #tpu.memory_space<semaphore_mem>>) src(%dma_wait3A_95 : memref<100352x128xf32, #tpu.memory_space<hbm>>) dst(%arg7 : memref<128x128xf32, #tpu.memory_space<vmem>>)
    %dma_wait3A_96 = arith.constant 0 : i32
    %dma_wait3A_97 = tpu.memref_slice %arg3[%add3A_53, %dma_wait3A_96] : memref<16384x128xi32, #tpu.memory_space<hbm>> -> memref<128x128xi32, #tpu.memory_space<hbm>>
    %dma_wait3A_98 = arith.constant 0 : i32
    %dma_wait3A_99 = tpu.memref_slice %arg3[%add3A_53, %dma_wait3A_98] : memref<16384x128xi32, #tpu.memory_space<hbm>> -> memref<128x128xi32, #tpu.memory_space<hbm>>
    tpu.wait_dma2 semaphore(%arg10 : memref<!tpu.dma_semaphore, #tpu.memory_space<semaphore_mem>>) src(%dma_wait3A_99 : memref<128x128xi32, #tpu.memory_space<hbm>>) dst(%arg8 : memref<128x128xi32, #tpu.memory_space<vmem>>)
    %scan3A_100 = arith.constant 0 : i32
    %scan3A_101 = arith.constant 160 : i32
    %scan3A_102 = arith.addi %scan3A_100, %scan3A_101 : i32
    %scan3A_103 = arith.constant 1 : i32
    scf.for %scan3A_217 = %scan3A_100 to %scan3A_102 step %scan3A_103  : i32 {
      %mul3A_218 = arith.constant 16 : i32
      %mul3A_219 = arith.muli %scan3A_217, %mul3A_218 : i32
      %add3A_220 = vector.broadcast %mul3A_219 : i32 to vector<16xi32>
      %add3A_221 = arith.addi %add3A_220, %iota3A : vector<16xi32>
      %shift_right_arithmetic3A = arith.constant 2 : i32
      %shift_right_arithmetic3A_222 = vector.broadcast %shift_right_arithmetic3A : i32 to vector<16xi32>
      %shift_right_arithmetic3A_223 = arith.shrsi %add3A_221, %shift_right_arithmetic3A_222 : vector<16xi32>
      %mul3A_224 = arith.constant 13108 : i32
      %mul3A_225 = vector.broadcast %mul3A_224 : i32 to vector<16xi32>
      %mul3A_226 = arith.muli %shift_right_arithmetic3A_223, %mul3A_225 : vector<16xi32>
      %shift_right_arithmetic3A_227 = arith.constant 16 : i32
      %shift_right_arithmetic3A_228 = vector.broadcast %shift_right_arithmetic3A_227 : i32 to vector<16xi32>
      %shift_right_arithmetic3A_229 = arith.shrsi %mul3A_226, %shift_right_arithmetic3A_228 : vector<16xi32>
      %mul3A_230 = arith.constant 20 : i32
      %mul3A_231 = vector.broadcast %mul3A_230 : i32 to vector<16xi32>
      %mul3A_232 = arith.muli %mul3A_231, %shift_right_arithmetic3A_229 : vector<16xi32>
      %sub3A_233 = arith.subi %add3A_221, %mul3A_232 : vector<16xi32>
      %gather3A = tpu.vector_load_idx %arg8[%shift_right_arithmetic3A_229, %sub3A_233] : memref<128x128xi32, #tpu.memory_space<vmem>>[vector<16xi32>, vector<16xi32>], vector<16xi32>,
      %ge3A = arith.constant 50 : i32
      %ge3A_234 = vector.broadcast %ge3A : i32 to vector<16xi32>
      %ge3A_235 = arith.cmpi sge, %gather3A, %ge3A_234 : vector<16xi32>
      %gather3A_236 = tpu.vector_load_idx %arg7[%shift_right_arithmetic3A_229, %gather3A] : memref<128x128xf32, #tpu.memory_space<vmem>>[vector<16xi32>, vector<16xi32>], vector<16xf32>,
      %select_n3A_237 = arith.select %ge3A_235, %broadcast_in_dim3A_3, %gather3A_236 : vector<16xi1>, vector<16xf32>
      %add3A_238 = arith.constant 128 : i32
      %add3A_239 = vector.broadcast %add3A_238 : i32 to vector<16xi32>
      %add3A_240 = arith.addi %add3A_239, %shift_right_arithmetic3A_229 : vector<16xi32>
      tpu.vector_store_idx %arg9[%add3A_240, %sub3A_233], %select_n3A_237 : memref<512x24xf32, #tpu.memory_space<vmem>>[vector<16xi32>, vector<16xi32>], vector<16xf32>,
    }
    %scan3A_104 = arith.constant 160 : i32
    %mul3A_105 = arith.constant 512 : i32
    %mul3A_106 = arith.muli %add3A, %mul3A_105 : i32
    %add3A_107 = arith.constant 256 : i32
    %add3A_108 = arith.addi %mul3A_106, %add3A_107 : i32
    %jit3A_109 = arith.constant 128 : i32
    %div3A_110 = arith.divsi %add3A_108, %jit3A_109 : i32
    %sign3A_111 = arith.constant 0 : i32
    %sign3A_112 = arith.cmpi sgt, %add3A_108, %sign3A_111 : i32
    %sign3A_113 = arith.extui %sign3A_112 : i1 to i32
    %sign3A_114 = arith.constant 0 : i32
    %sign3A_115 = arith.cmpi slt, %add3A_108, %sign3A_114 : i32
    %sign3A_116 = arith.extui %sign3A_115 : i1 to i32
    %sign3A_117 = arith.subi %sign3A_113, %sign3A_116 : i32
    %sign3A_118 = arith.constant 0 : i32
    %sign3A_119 = arith.cmpi sgt, %jit3A_109, %sign3A_118 : i32
    %sign3A_120 = arith.extui %sign3A_119 : i1 to i32
    %sign3A_121 = arith.constant 0 : i32
    %sign3A_122 = arith.cmpi slt, %jit3A_109, %sign3A_121 : i32
    %sign3A_123 = arith.extui %sign3A_122 : i1 to i32
    %sign3A_124 = arith.subi %sign3A_120, %sign3A_123 : i32
    %ne3A_125 = arith.cmpi ne, %sign3A_117, %sign3A_124 : i32
    %rem3A_126 = arith.remsi %add3A_108, %jit3A_109 : i32
    %ne3A_127 = arith.constant 0 : i32
    %ne3A_128 = arith.cmpi ne, %rem3A_126, %ne3A_127 : i32
    %and3A_129 = arith.andi %ne3A_125, %ne3A_128 : i1
    %sub3A_130 = arith.constant 1 : i32
    %sub3A_131 = arith.subi %div3A_110, %sub3A_130 : i32
    %select_n3A_132 = arith.select %and3A_129, %sub3A_131, %div3A_110 : i32
    "tpu.region"() ({
      %run_scoped3A = tpu.sem_alloc : memref<!tpu.dma_semaphore, #tpu.memory_space<semaphore_mem>>
      %dma_start3A_217 = arith.constant 0 : i32
      %dma_start3A_218 = tpu.memref_slice %arg4[%select_n3A_132, %dma_start3A_217] : memref<128x128xi32, #tpu.memory_space<hbm>> -> memref<1x128xi32, #tpu.memory_space<hbm>>
      %dma_start3A_219 = arith.constant 0 : i32
      %dma_start3A_220 = tpu.memref_slice %arg4[%select_n3A_132, %dma_start3A_219] : memref<128x128xi32, #tpu.memory_space<hbm>> -> memref<1x128xi32, #tpu.memory_space<hbm>>
      tpu.enqueue_dma source(%dma_start3A_220 : memref<1x128xi32, #tpu.memory_space<hbm>>) target(%arg6 : memref<1x128xi32, #tpu.memory_space<vmem>>) target_semaphore(%run_scoped3A : memref<!tpu.dma_semaphore, #tpu.memory_space<semaphore_mem>>)
      %dma_wait3A_221 = arith.constant 0 : i32
      %dma_wait3A_222 = tpu.memref_slice %arg4[%select_n3A_132, %dma_wait3A_221] : memref<128x128xi32, #tpu.memory_space<hbm>> -> memref<1x128xi32, #tpu.memory_space<hbm>>
      %dma_wait3A_223 = arith.constant 0 : i32
      %dma_wait3A_224 = tpu.memref_slice %arg4[%select_n3A_132, %dma_wait3A_223] : memref<128x128xi32, #tpu.memory_space<hbm>> -> memref<1x128xi32, #tpu.memory_space<hbm>>
      tpu.wait_dma2 semaphore(%run_scoped3A : memref<!tpu.dma_semaphore, #tpu.memory_space<semaphore_mem>>) src(%dma_wait3A_224 : memref<1x128xi32, #tpu.memory_space<hbm>>) dst(%arg6 : memref<1x128xi32, #tpu.memory_space<vmem>>)
      tpu.yield
    }) : () -> ()
    %dma_start3A_133 = arith.constant 0 : i32
    %dma_start3A_134 = arith.constant 0 : i32
    %dma_start3A_135 = tpu.memref_slice %arg6[%dma_start3A_133, %dma_start3A_134] : memref<1x128xi32, #tpu.memory_space<vmem>> -> memref<1x128xi32, #tpu.memory_space<vmem>>
    %dma_start3A_136 = tpu.memref_squeeze %dma_start3A_135 : memref<1x128xi32, #tpu.memory_space<vmem>> -> memref<128xi32, #tpu.memory_space<vmem>>
    %dma_start3A_137 = arith.constant 0 : i32
    %dma_start3A_138 = arith.constant 0 : i32
    %dma_start3A_139 = tpu.memref_slice %arg2[%dma_start3A_137, %dma_start3A_138] : memref<100352x128xf32, #tpu.memory_space<hbm>> -> memref<100352x128xf32, #tpu.memory_space<hbm>>
    tpu.enqueue_indirect_dma source(%dma_start3A_139 : memref<100352x128xf32, #tpu.memory_space<hbm>>) target(%arg7 : memref<128x128xf32, #tpu.memory_space<vmem>>) offsets(%dma_start3A_136 : memref<128xi32, #tpu.memory_space<vmem>>) semaphore(%arg10 : memref<!tpu.dma_semaphore, #tpu.memory_space<semaphore_mem>>)
    %dma_start3A_140 = arith.constant 0 : i32
    %dma_start3A_141 = tpu.memref_slice %arg3[%add3A_108, %dma_start3A_140] : memref<16384x128xi32, #tpu.memory_space<hbm>> -> memref<128x128xi32, #tpu.memory_space<hbm>>
    %dma_start3A_142 = arith.constant 0 : i32
    %dma_start3A_143 = tpu.memref_slice %arg3[%add3A_108, %dma_start3A_142] : memref<16384x128xi32, #tpu.memory_space<hbm>> -> memref<128x128xi32, #tpu.memory_space<hbm>>
    tpu.enqueue_dma source(%dma_start3A_143 : memref<128x128xi32, #tpu.memory_space<hbm>>) target(%arg8 : memref<128x128xi32, #tpu.memory_space<vmem>>) target_semaphore(%arg10 : memref<!tpu.dma_semaphore, #tpu.memory_space<semaphore_mem>>)
    %dma_wait3A_144 = arith.constant 0 : i32
    %dma_wait3A_145 = arith.constant 0 : i32
    %dma_wait3A_146 = tpu.memref_slice %arg6[%dma_wait3A_144, %dma_wait3A_145] : memref<1x128xi32, #tpu.memory_space<vmem>> -> memref<1x128xi32, #tpu.memory_space<vmem>>
    %dma_wait3A_147 = tpu.memref_squeeze %dma_wait3A_146 : memref<1x128xi32, #tpu.memory_space<vmem>> -> memref<128xi32, #tpu.memory_space<vmem>>
    %dma_wait3A_148 = arith.constant 0 : i32
    %dma_wait3A_149 = arith.constant 0 : i32
    %dma_wait3A_150 = tpu.memref_slice %arg2[%dma_wait3A_148, %dma_wait3A_149] : memref<100352x128xf32, #tpu.memory_space<hbm>> -> memref<100352x128xf32, #tpu.memory_space<hbm>>
    tpu.wait_indirect_dma semaphore(%arg10 : memref<!tpu.dma_semaphore, #tpu.memory_space<semaphore_mem>>) src(%dma_wait3A_150 : memref<100352x128xf32, #tpu.memory_space<hbm>>) dst(%arg7 : memref<128x128xf32, #tpu.memory_space<vmem>>)
    %dma_wait3A_151 = arith.constant 0 : i32
    %dma_wait3A_152 = tpu.memref_slice %arg3[%add3A_108, %dma_wait3A_151] : memref<16384x128xi32, #tpu.memory_space<hbm>> -> memref<128x128xi32, #tpu.memory_space<hbm>>
    %dma_wait3A_153 = arith.constant 0 : i32
    %dma_wait3A_154 = tpu.memref_slice %arg3[%add3A_108, %dma_wait3A_153] : memref<16384x128xi32, #tpu.memory_space<hbm>> -> memref<128x128xi32, #tpu.memory_space<hbm>>
    tpu.wait_dma2 semaphore(%arg10 : memref<!tpu.dma_semaphore, #tpu.memory_space<semaphore_mem>>) src(%dma_wait3A_154 : memref<128x128xi32, #tpu.memory_space<hbm>>) dst(%arg8 : memref<128x128xi32, #tpu.memory_space<vmem>>)
    %scan3A_155 = arith.constant 0 : i32
    %scan3A_156 = arith.constant 160 : i32
    %scan3A_157 = arith.addi %scan3A_155, %scan3A_156 : i32
    %scan3A_158 = arith.constant 1 : i32
    scf.for %scan3A_217 = %scan3A_155 to %scan3A_157 step %scan3A_158  : i32 {
      %mul3A_218 = arith.constant 16 : i32
      %mul3A_219 = arith.muli %scan3A_217, %mul3A_218 : i32
      %add3A_220 = vector.broadcast %mul3A_219 : i32 to vector<16xi32>
      %add3A_221 = arith.addi %add3A_220, %iota3A : vector<16xi32>
      %shift_right_arithmetic3A = arith.constant 2 : i32
      %shift_right_arithmetic3A_222 = vector.broadcast %shift_right_arithmetic3A : i32 to vector<16xi32>
      %shift_right_arithmetic3A_223 = arith.shrsi %add3A_221, %shift_right_arithmetic3A_222 : vector<16xi32>
      %mul3A_224 = arith.constant 13108 : i32
      %mul3A_225 = vector.broadcast %mul3A_224 : i32 to vector<16xi32>
      %mul3A_226 = arith.muli %shift_right_arithmetic3A_223, %mul3A_225 : vector<16xi32>
      %shift_right_arithmetic3A_227 = arith.constant 16 : i32
      %shift_right_arithmetic3A_228 = vector.broadcast %shift_right_arithmetic3A_227 : i32 to vector<16xi32>
      %shift_right_arithmetic3A_229 = arith.shrsi %mul3A_226, %shift_right_arithmetic3A_228 : vector<16xi32>
      %mul3A_230 = arith.constant 20 : i32
      %mul3A_231 = vector.broadcast %mul3A_230 : i32 to vector<16xi32>
      %mul3A_232 = arith.muli %mul3A_231, %shift_right_arithmetic3A_229 : vector<16xi32>
      %sub3A_233 = arith.subi %add3A_221, %mul3A_232 : vector<16xi32>
      %gather3A = tpu.vector_load_idx %arg8[%shift_right_arithmetic3A_229, %sub3A_233] : memref<128x128xi32, #tpu.memory_space<vmem>>[vector<16xi32>, vector<16xi32>], vector<16xi32>,
      %ge3A = arith.constant 50 : i32
      %ge3A_234 = vector.broadcast %ge3A : i32 to vector<16xi32>
      %ge3A_235 = arith.cmpi sge, %gather3A, %ge3A_234 : vector<16xi32>
      %gather3A_236 = tpu.vector_load_idx %arg7[%shift_right_arithmetic3A_229, %gather3A] : memref<128x128xf32, #tpu.memory_space<vmem>>[vector<16xi32>, vector<16xi32>], vector<16xf32>,
      %select_n3A_237 = arith.select %ge3A_235, %broadcast_in_dim3A_3, %gather3A_236 : vector<16xi1>, vector<16xf32>
      %add3A_238 = arith.constant 256 : i32
      %add3A_239 = vector.broadcast %add3A_238 : i32 to vector<16xi32>
      %add3A_240 = arith.addi %add3A_239, %shift_right_arithmetic3A_229 : vector<16xi32>
      tpu.vector_store_idx %arg9[%add3A_240, %sub3A_233], %select_n3A_237 : memref<512x24xf32, #tpu.memory_space<vmem>>[vector<16xi32>, vector<16xi32>], vector<16xf32>,
    }
    %scan3A_159 = arith.constant 160 : i32
    %mul3A_160 = arith.constant 512 : i32
    %mul3A_161 = arith.muli %add3A, %mul3A_160 : i32
    %add3A_162 = arith.constant 384 : i32
    %add3A_163 = arith.addi %mul3A_161, %add3A_162 : i32
    %jit3A_164 = arith.constant 128 : i32
    %div3A_165 = arith.divsi %add3A_163, %jit3A_164 : i32
    %sign3A_166 = arith.constant 0 : i32
    %sign3A_167 = arith.cmpi sgt, %add3A_163, %sign3A_166 : i32
    %sign3A_168 = arith.extui %sign3A_167 : i1 to i32
    %sign3A_169 = arith.constant 0 : i32
    %sign3A_170 = arith.cmpi slt, %add3A_163, %sign3A_169 : i32
    %sign3A_171 = arith.extui %sign3A_170 : i1 to i32
    %sign3A_172 = arith.subi %sign3A_168, %sign3A_171 : i32
    %sign3A_173 = arith.constant 0 : i32
    %sign3A_174 = arith.cmpi sgt, %jit3A_164, %sign3A_173 : i32
    %sign3A_175 = arith.extui %sign3A_174 : i1 to i32
    %sign3A_176 = arith.constant 0 : i32
    %sign3A_177 = arith.cmpi slt, %jit3A_164, %sign3A_176 : i32
    %sign3A_178 = arith.extui %sign3A_177 : i1 to i32
    %sign3A_179 = arith.subi %sign3A_175, %sign3A_178 : i32
    %ne3A_180 = arith.cmpi ne, %sign3A_172, %sign3A_179 : i32
    %rem3A_181 = arith.remsi %add3A_163, %jit3A_164 : i32
    %ne3A_182 = arith.constant 0 : i32
    %ne3A_183 = arith.cmpi ne, %rem3A_181, %ne3A_182 : i32
    %and3A_184 = arith.andi %ne3A_180, %ne3A_183 : i1
    %sub3A_185 = arith.constant 1 : i32
    %sub3A_186 = arith.subi %div3A_165, %sub3A_185 : i32
    %select_n3A_187 = arith.select %and3A_184, %sub3A_186, %div3A_165 : i32
    "tpu.region"() ({
      %run_scoped3A = tpu.sem_alloc : memref<!tpu.dma_semaphore, #tpu.memory_space<semaphore_mem>>
      %dma_start3A_217 = arith.constant 0 : i32
      %dma_start3A_218 = tpu.memref_slice %arg4[%select_n3A_187, %dma_start3A_217] : memref<128x128xi32, #tpu.memory_space<hbm>> -> memref<1x128xi32, #tpu.memory_space<hbm>>
      %dma_start3A_219 = arith.constant 0 : i32
      %dma_start3A_220 = tpu.memref_slice %arg4[%select_n3A_187, %dma_start3A_219] : memref<128x128xi32, #tpu.memory_space<hbm>> -> memref<1x128xi32, #tpu.memory_space<hbm>>
      tpu.enqueue_dma source(%dma_start3A_220 : memref<1x128xi32, #tpu.memory_space<hbm>>) target(%arg6 : memref<1x128xi32, #tpu.memory_space<vmem>>) target_semaphore(%run_scoped3A : memref<!tpu.dma_semaphore, #tpu.memory_space<semaphore_mem>>)
      %dma_wait3A_221 = arith.constant 0 : i32
      %dma_wait3A_222 = tpu.memref_slice %arg4[%select_n3A_187, %dma_wait3A_221] : memref<128x128xi32, #tpu.memory_space<hbm>> -> memref<1x128xi32, #tpu.memory_space<hbm>>
      %dma_wait3A_223 = arith.constant 0 : i32
      %dma_wait3A_224 = tpu.memref_slice %arg4[%select_n3A_187, %dma_wait3A_223] : memref<128x128xi32, #tpu.memory_space<hbm>> -> memref<1x128xi32, #tpu.memory_space<hbm>>
      tpu.wait_dma2 semaphore(%run_scoped3A : memref<!tpu.dma_semaphore, #tpu.memory_space<semaphore_mem>>) src(%dma_wait3A_224 : memref<1x128xi32, #tpu.memory_space<hbm>>) dst(%arg6 : memref<1x128xi32, #tpu.memory_space<vmem>>)
      tpu.yield
    }) : () -> ()
    %dma_start3A_188 = arith.constant 0 : i32
    %dma_start3A_189 = arith.constant 0 : i32
    %dma_start3A_190 = tpu.memref_slice %arg6[%dma_start3A_188, %dma_start3A_189] : memref<1x128xi32, #tpu.memory_space<vmem>> -> memref<1x128xi32, #tpu.memory_space<vmem>>
    %dma_start3A_191 = tpu.memref_squeeze %dma_start3A_190 : memref<1x128xi32, #tpu.memory_space<vmem>> -> memref<128xi32, #tpu.memory_space<vmem>>
    %dma_start3A_192 = arith.constant 0 : i32
    %dma_start3A_193 = arith.constant 0 : i32
    %dma_start3A_194 = tpu.memref_slice %arg2[%dma_start3A_192, %dma_start3A_193] : memref<100352x128xf32, #tpu.memory_space<hbm>> -> memref<100352x128xf32, #tpu.memory_space<hbm>>
    tpu.enqueue_indirect_dma source(%dma_start3A_194 : memref<100352x128xf32, #tpu.memory_space<hbm>>) target(%arg7 : memref<128x128xf32, #tpu.memory_space<vmem>>) offsets(%dma_start3A_191 : memref<128xi32, #tpu.memory_space<vmem>>) semaphore(%arg10 : memref<!tpu.dma_semaphore, #tpu.memory_space<semaphore_mem>>)
    %dma_start3A_195 = arith.constant 0 : i32
    %dma_start3A_196 = tpu.memref_slice %arg3[%add3A_163, %dma_start3A_195] : memref<16384x128xi32, #tpu.memory_space<hbm>> -> memref<128x128xi32, #tpu.memory_space<hbm>>
    %dma_start3A_197 = arith.constant 0 : i32
    %dma_start3A_198 = tpu.memref_slice %arg3[%add3A_163, %dma_start3A_197] : memref<16384x128xi32, #tpu.memory_space<hbm>> -> memref<128x128xi32, #tpu.memory_space<hbm>>
    tpu.enqueue_dma source(%dma_start3A_198 : memref<128x128xi32, #tpu.memory_space<hbm>>) target(%arg8 : memref<128x128xi32, #tpu.memory_space<vmem>>) target_semaphore(%arg10 : memref<!tpu.dma_semaphore, #tpu.memory_space<semaphore_mem>>)
    %dma_wait3A_199 = arith.constant 0 : i32
    %dma_wait3A_200 = arith.constant 0 : i32
    %dma_wait3A_201 = tpu.memref_slice %arg6[%dma_wait3A_199, %dma_wait3A_200] : memref<1x128xi32, #tpu.memory_space<vmem>> -> memref<1x128xi32, #tpu.memory_space<vmem>>
    %dma_wait3A_202 = tpu.memref_squeeze %dma_wait3A_201 : memref<1x128xi32, #tpu.memory_space<vmem>> -> memref<128xi32, #tpu.memory_space<vmem>>
    %dma_wait3A_203 = arith.constant 0 : i32
    %dma_wait3A_204 = arith.constant 0 : i32
    %dma_wait3A_205 = tpu.memref_slice %arg2[%dma_wait3A_203, %dma_wait3A_204] : memref<100352x128xf32, #tpu.memory_space<hbm>> -> memref<100352x128xf32, #tpu.memory_space<hbm>>
    tpu.wait_indirect_dma semaphore(%arg10 : memref<!tpu.dma_semaphore, #tpu.memory_space<semaphore_mem>>) src(%dma_wait3A_205 : memref<100352x128xf32, #tpu.memory_space<hbm>>) dst(%arg7 : memref<128x128xf32, #tpu.memory_space<vmem>>)
    %dma_wait3A_206 = arith.constant 0 : i32
    %dma_wait3A_207 = tpu.memref_slice %arg3[%add3A_163, %dma_wait3A_206] : memref<16384x128xi32, #tpu.memory_space<hbm>> -> memref<128x128xi32, #tpu.memory_space<hbm>>
    %dma_wait3A_208 = arith.constant 0 : i32
    %dma_wait3A_209 = tpu.memref_slice %arg3[%add3A_163, %dma_wait3A_208] : memref<16384x128xi32, #tpu.memory_space<hbm>> -> memref<128x128xi32, #tpu.memory_space<hbm>>
    tpu.wait_dma2 semaphore(%arg10 : memref<!tpu.dma_semaphore, #tpu.memory_space<semaphore_mem>>) src(%dma_wait3A_209 : memref<128x128xi32, #tpu.memory_space<hbm>>) dst(%arg8 : memref<128x128xi32, #tpu.memory_space<vmem>>)
    %scan3A_210 = arith.constant 0 : i32
    %scan3A_211 = arith.constant 160 : i32
    %scan3A_212 = arith.addi %scan3A_210, %scan3A_211 : i32
    %scan3A_213 = arith.constant 1 : i32
    scf.for %scan3A_217 = %scan3A_210 to %scan3A_212 step %scan3A_213  : i32 {
      %mul3A_218 = arith.constant 16 : i32
      %mul3A_219 = arith.muli %scan3A_217, %mul3A_218 : i32
      %add3A_220 = vector.broadcast %mul3A_219 : i32 to vector<16xi32>
      %add3A_221 = arith.addi %add3A_220, %iota3A : vector<16xi32>
      %shift_right_arithmetic3A = arith.constant 2 : i32
      %shift_right_arithmetic3A_222 = vector.broadcast %shift_right_arithmetic3A : i32 to vector<16xi32>
      %shift_right_arithmetic3A_223 = arith.shrsi %add3A_221, %shift_right_arithmetic3A_222 : vector<16xi32>
      %mul3A_224 = arith.constant 13108 : i32
      %mul3A_225 = vector.broadcast %mul3A_224 : i32 to vector<16xi32>
      %mul3A_226 = arith.muli %shift_right_arithmetic3A_223, %mul3A_225 : vector<16xi32>
      %shift_right_arithmetic3A_227 = arith.constant 16 : i32
      %shift_right_arithmetic3A_228 = vector.broadcast %shift_right_arithmetic3A_227 : i32 to vector<16xi32>
      %shift_right_arithmetic3A_229 = arith.shrsi %mul3A_226, %shift_right_arithmetic3A_228 : vector<16xi32>
      %mul3A_230 = arith.constant 20 : i32
      %mul3A_231 = vector.broadcast %mul3A_230 : i32 to vector<16xi32>
      %mul3A_232 = arith.muli %mul3A_231, %shift_right_arithmetic3A_229 : vector<16xi32>
      %sub3A_233 = arith.subi %add3A_221, %mul3A_232 : vector<16xi32>
      %gather3A = tpu.vector_load_idx %arg8[%shift_right_arithmetic3A_229, %sub3A_233] : memref<128x128xi32, #tpu.memory_space<vmem>>[vector<16xi32>, vector<16xi32>], vector<16xi32>,
      %ge3A = arith.constant 50 : i32
      %ge3A_234 = vector.broadcast %ge3A : i32 to vector<16xi32>
      %ge3A_235 = arith.cmpi sge, %gather3A, %ge3A_234 : vector<16xi32>
      %gather3A_236 = tpu.vector_load_idx %arg7[%shift_right_arithmetic3A_229, %gather3A] : memref<128x128xf32, #tpu.memory_space<vmem>>[vector<16xi32>, vector<16xi32>], vector<16xf32>,
      %select_n3A_237 = arith.select %ge3A_235, %broadcast_in_dim3A_3, %gather3A_236 : vector<16xi1>, vector<16xf32>
      %add3A_238 = arith.constant 384 : i32
      %add3A_239 = vector.broadcast %add3A_238 : i32 to vector<16xi32>
      %add3A_240 = arith.addi %add3A_239, %shift_right_arithmetic3A_229 : vector<16xi32>
      tpu.vector_store_idx %arg9[%add3A_240, %sub3A_233], %select_n3A_237 : memref<512x24xf32, #tpu.memory_space<vmem>>[vector<16xi32>, vector<16xi32>], vector<16xf32>,
    }
    %scan3A_214 = arith.constant 160 : i32
    %mul3A_215 = arith.constant 512 : i32
    %mul3A_216 = arith.muli %add3A, %mul3A_215 : i32
    "tpu.region"() ({
      %run_scoped3A = tpu.sem_alloc : memref<!tpu.dma_semaphore, #tpu.memory_space<semaphore_mem>>
      %dma_start3A_217 = arith.constant 0 : i32
      %dma_start3A_218 = tpu.memref_slice %arg5[%mul3A_216, %dma_start3A_217] : memref<16384x24xf32, #tpu.memory_space<hbm>> -> memref<512x24xf32, #tpu.memory_space<hbm>>
      %dma_start3A_219 = arith.constant 0 : i32
      %dma_start3A_220 = tpu.memref_slice %arg5[%mul3A_216, %dma_start3A_219] : memref<16384x24xf32, #tpu.memory_space<hbm>> -> memref<512x24xf32, #tpu.memory_space<hbm>>
      tpu.enqueue_dma source(%arg9 : memref<512x24xf32, #tpu.memory_space<vmem>>) target(%dma_start3A_220 : memref<512x24xf32, #tpu.memory_space<hbm>>) target_semaphore(%run_scoped3A : memref<!tpu.dma_semaphore, #tpu.memory_space<semaphore_mem>>)
      %dma_wait3A_221 = arith.constant 0 : i32
      %dma_wait3A_222 = tpu.memref_slice %arg5[%mul3A_216, %dma_wait3A_221] : memref<16384x24xf32, #tpu.memory_space<hbm>> -> memref<512x24xf32, #tpu.memory_space<hbm>>
      %dma_wait3A_223 = arith.constant 0 : i32
      %dma_wait3A_224 = tpu.memref_slice %arg5[%mul3A_216, %dma_wait3A_223] : memref<16384x24xf32, #tpu.memory_space<hbm>> -> memref<512x24xf32, #tpu.memory_space<hbm>>
      tpu.wait_dma2 semaphore(%run_scoped3A : memref<!tpu.dma_semaphore, #tpu.memory_space<semaphore_mem>>) src(%arg9 : memref<512x24xf32, #tpu.memory_space<vmem>>) dst(%dma_wait3A_224 : memref<512x24xf32, #tpu.memory_space<hbm>>)
      tpu.yield
    }) : () -> ()
    return
  }
}

#map = affine_map<(d0, d1) -> (0, 0)>
module attributes {stable_mosaic.version = 14 : i64} {
  func.func @k(%arg0: i32, %arg1: i32, %arg2: memref<100352x128xf32, #tpu.memory_space<hbm>>, %arg3: memref<16384x128xi32, #tpu.memory_space<hbm>>, %arg4: memref<128x128xi32, #tpu.memory_space<hbm>>, %arg5: memref<16384x24xf32, #tpu.memory_space<hbm>>, %arg6: memref<32x16xf32, #tpu.memory_space<hbm>>, %arg7: memref<32x16xf32, #tpu.memory_space<hbm>>, %arg8: memref<1x128xi32, #tpu.memory_space<vmem>>, %arg9: memref<128x128xf32, #tpu.memory_space<vmem>>, %arg10: memref<128x128xi32, #tpu.memory_space<vmem>>, %arg11: memref<512x24xf32, #tpu.memory_space<vmem>>, %arg12: memref<16xf32, #tpu.memory_space<vmem>>, %arg13: memref<16xf32, #tpu.memory_space<vmem>>, %arg14: memref<!tpu.dma_semaphore, #tpu.memory_space<semaphore_mem>>) attributes {dimension_semantics = [#tpu.dimension_semantics<core_parallel>, #tpu.dimension_semantics<subcore_parallel>], iteration_bounds = array<i64: 2, 16>, scalar_prefetch = 0 : i64, scratch_operands = 7 : i64, tpu.core_type = #tpu.core_type<sc_vector_subcore>, window_params = [{transform_indices = #map}, {transform_indices = #map}, {transform_indices = #map}, {transform_indices = #map}, {transform_indices = #map}, {transform_indices = #map}]} {
    %mul3A = arith.constant 2 : i32
    %mul3A_0 = arith.muli %arg1, %mul3A : i32
    %add3A = arith.addi %mul3A_0, %arg0 : i32
    %broadcast_in_dim3A = arith.constant 0x7F800000 : f32
    %broadcast_in_dim3A_1 = vector.broadcast %broadcast_in_dim3A : f32 to vector<16xf32>
    %broadcast_in_dim3A_2 = arith.constant 0.000000e+00 : f32
    %broadcast_in_dim3A_3 = vector.broadcast %broadcast_in_dim3A_2 : f32 to vector<16xf32>
    %iota3A = tpu.iota {dimensions = array<i32: 0>} : vector<16xi32>
    %neg3A = arith.constant 0.000000e+00 : f32
    %neg3A_4 = vector.broadcast %neg3A : f32 to vector<16xf32>
    %neg3A_5 = arith.subf %neg3A_4, %broadcast_in_dim3A_1 : vector<16xf32>
    %mul3A_6 = arith.constant 512 : i32
    %mul3A_7 = arith.muli %add3A, %mul3A_6 : i32
    %add3A_8 = arith.constant 0 : i32
    %add3A_9 = arith.addi %mul3A_7, %add3A_8 : i32
    %jit3A = arith.constant 128 : i32
    %div3A = arith.divsi %add3A_9, %jit3A : i32
    %sign3A = arith.constant 0 : i32
    %sign3A_10 = arith.cmpi sgt, %add3A_9, %sign3A : i32
    %sign3A_11 = arith.extui %sign3A_10 : i1 to i32
    %sign3A_12 = arith.constant 0 : i32
    %sign3A_13 = arith.cmpi slt, %add3A_9, %sign3A_12 : i32
    %sign3A_14 = arith.extui %sign3A_13 : i1 to i32
    %sign3A_15 = arith.subi %sign3A_11, %sign3A_14 : i32
    %sign3A_16 = arith.constant 0 : i32
    %sign3A_17 = arith.cmpi sgt, %jit3A, %sign3A_16 : i32
    %sign3A_18 = arith.extui %sign3A_17 : i1 to i32
    %sign3A_19 = arith.constant 0 : i32
    %sign3A_20 = arith.cmpi slt, %jit3A, %sign3A_19 : i32
    %sign3A_21 = arith.extui %sign3A_20 : i1 to i32
    %sign3A_22 = arith.subi %sign3A_18, %sign3A_21 : i32
    %ne3A = arith.cmpi ne, %sign3A_15, %sign3A_22 : i32
    %rem3A = arith.remsi %add3A_9, %jit3A : i32
    %ne3A_23 = arith.constant 0 : i32
    %ne3A_24 = arith.cmpi ne, %rem3A, %ne3A_23 : i32
    %and3A = arith.andi %ne3A, %ne3A_24 : i1
    %sub3A = arith.constant 1 : i32
    %sub3A_25 = arith.subi %div3A, %sub3A : i32
    %select_n3A = arith.select %and3A, %sub3A_25, %div3A : i32
    "tpu.region"() ({
      %run_scoped3A = tpu.sem_alloc : memref<!tpu.dma_semaphore, #tpu.memory_space<semaphore_mem>>
      %dma_start3A_224 = arith.constant 0 : i32
      %dma_start3A_225 = tpu.memref_slice %arg4[%select_n3A, %dma_start3A_224] : memref<128x128xi32, #tpu.memory_space<hbm>> -> memref<1x128xi32, #tpu.memory_space<hbm>>
      %dma_start3A_226 = arith.constant 0 : i32
      %dma_start3A_227 = tpu.memref_slice %arg4[%select_n3A, %dma_start3A_226] : memref<128x128xi32, #tpu.memory_space<hbm>> -> memref<1x128xi32, #tpu.memory_space<hbm>>
      tpu.enqueue_dma source(%dma_start3A_227 : memref<1x128xi32, #tpu.memory_space<hbm>>) target(%arg8 : memref<1x128xi32, #tpu.memory_space<vmem>>) target_semaphore(%run_scoped3A : memref<!tpu.dma_semaphore, #tpu.memory_space<semaphore_mem>>)
      %dma_wait3A_228 = arith.constant 0 : i32
      %dma_wait3A_229 = tpu.memref_slice %arg4[%select_n3A, %dma_wait3A_228] : memref<128x128xi32, #tpu.memory_space<hbm>> -> memref<1x128xi32, #tpu.memory_space<hbm>>
      %dma_wait3A_230 = arith.constant 0 : i32
      %dma_wait3A_231 = tpu.memref_slice %arg4[%select_n3A, %dma_wait3A_230] : memref<128x128xi32, #tpu.memory_space<hbm>> -> memref<1x128xi32, #tpu.memory_space<hbm>>
      tpu.wait_dma2 semaphore(%run_scoped3A : memref<!tpu.dma_semaphore, #tpu.memory_space<semaphore_mem>>) src(%dma_wait3A_231 : memref<1x128xi32, #tpu.memory_space<hbm>>) dst(%arg8 : memref<1x128xi32, #tpu.memory_space<vmem>>)
      tpu.yield
    }) : () -> ()
    %dma_start3A = arith.constant 0 : i32
    %dma_start3A_26 = arith.constant 0 : i32
    %dma_start3A_27 = tpu.memref_slice %arg8[%dma_start3A, %dma_start3A_26] : memref<1x128xi32, #tpu.memory_space<vmem>> -> memref<1x128xi32, #tpu.memory_space<vmem>>
    %dma_start3A_28 = tpu.memref_squeeze %dma_start3A_27 : memref<1x128xi32, #tpu.memory_space<vmem>> -> memref<128xi32, #tpu.memory_space<vmem>>
    %dma_start3A_29 = arith.constant 0 : i32
    %dma_start3A_30 = arith.constant 0 : i32
    %dma_start3A_31 = tpu.memref_slice %arg2[%dma_start3A_29, %dma_start3A_30] : memref<100352x128xf32, #tpu.memory_space<hbm>> -> memref<100352x128xf32, #tpu.memory_space<hbm>>
    tpu.enqueue_indirect_dma source(%dma_start3A_31 : memref<100352x128xf32, #tpu.memory_space<hbm>>) target(%arg9 : memref<128x128xf32, #tpu.memory_space<vmem>>) offsets(%dma_start3A_28 : memref<128xi32, #tpu.memory_space<vmem>>) semaphore(%arg14 : memref<!tpu.dma_semaphore, #tpu.memory_space<semaphore_mem>>)
    %dma_start3A_32 = arith.constant 0 : i32
    %dma_start3A_33 = tpu.memref_slice %arg3[%add3A_9, %dma_start3A_32] : memref<16384x128xi32, #tpu.memory_space<hbm>> -> memref<128x128xi32, #tpu.memory_space<hbm>>
    %dma_start3A_34 = arith.constant 0 : i32
    %dma_start3A_35 = tpu.memref_slice %arg3[%add3A_9, %dma_start3A_34] : memref<16384x128xi32, #tpu.memory_space<hbm>> -> memref<128x128xi32, #tpu.memory_space<hbm>>
    tpu.enqueue_dma source(%dma_start3A_35 : memref<128x128xi32, #tpu.memory_space<hbm>>) target(%arg10 : memref<128x128xi32, #tpu.memory_space<vmem>>) target_semaphore(%arg14 : memref<!tpu.dma_semaphore, #tpu.memory_space<semaphore_mem>>)
    %dma_wait3A = arith.constant 0 : i32
    %dma_wait3A_36 = arith.constant 0 : i32
    %dma_wait3A_37 = tpu.memref_slice %arg8[%dma_wait3A, %dma_wait3A_36] : memref<1x128xi32, #tpu.memory_space<vmem>> -> memref<1x128xi32, #tpu.memory_space<vmem>>
    %dma_wait3A_38 = tpu.memref_squeeze %dma_wait3A_37 : memref<1x128xi32, #tpu.memory_space<vmem>> -> memref<128xi32, #tpu.memory_space<vmem>>
    %dma_wait3A_39 = arith.constant 0 : i32
    %dma_wait3A_40 = arith.constant 0 : i32
    %dma_wait3A_41 = tpu.memref_slice %arg2[%dma_wait3A_39, %dma_wait3A_40] : memref<100352x128xf32, #tpu.memory_space<hbm>> -> memref<100352x128xf32, #tpu.memory_space<hbm>>
    tpu.wait_indirect_dma semaphore(%arg14 : memref<!tpu.dma_semaphore, #tpu.memory_space<semaphore_mem>>) src(%dma_wait3A_41 : memref<100352x128xf32, #tpu.memory_space<hbm>>) dst(%arg9 : memref<128x128xf32, #tpu.memory_space<vmem>>)
    %dma_wait3A_42 = arith.constant 0 : i32
    %dma_wait3A_43 = tpu.memref_slice %arg3[%add3A_9, %dma_wait3A_42] : memref<16384x128xi32, #tpu.memory_space<hbm>> -> memref<128x128xi32, #tpu.memory_space<hbm>>
    %dma_wait3A_44 = arith.constant 0 : i32
    %dma_wait3A_45 = tpu.memref_slice %arg3[%add3A_9, %dma_wait3A_44] : memref<16384x128xi32, #tpu.memory_space<hbm>> -> memref<128x128xi32, #tpu.memory_space<hbm>>
    tpu.wait_dma2 semaphore(%arg14 : memref<!tpu.dma_semaphore, #tpu.memory_space<semaphore_mem>>) src(%dma_wait3A_45 : memref<128x128xi32, #tpu.memory_space<hbm>>) dst(%arg10 : memref<128x128xi32, #tpu.memory_space<vmem>>)
    %scan3A = arith.constant 0 : i32
    %scan3A_46 = arith.constant 160 : i32
    %scan3A_47 = arith.addi %scan3A, %scan3A_46 : i32
    %scan3A_48 = arith.constant 1 : i32
    %scan3A_49:2 = scf.for %scan3A_224 = %scan3A to %scan3A_47 step %scan3A_48 iter_args(%scan3A_225 = %broadcast_in_dim3A_1, %scan3A_226 = %neg3A_5) -> (vector<16xf32>, vector<16xf32>)  : i32 {
      %mul3A_227 = arith.constant 16 : i32
      %mul3A_228 = arith.muli %scan3A_224, %mul3A_227 : i32
      %add3A_229 = vector.broadcast %mul3A_228 : i32 to vector<16xi32>
      %add3A_230 = arith.addi %add3A_229, %iota3A : vector<16xi32>
      %shift_right_arithmetic3A = arith.constant 2 : i32
      %shift_right_arithmetic3A_231 = vector.broadcast %shift_right_arithmetic3A : i32 to vector<16xi32>
      %shift_right_arithmetic3A_232 = arith.shrsi %add3A_230, %shift_right_arithmetic3A_231 : vector<16xi32>
      %mul3A_233 = arith.constant 13108 : i32
      %mul3A_234 = vector.broadcast %mul3A_233 : i32 to vector<16xi32>
      %mul3A_235 = arith.muli %shift_right_arithmetic3A_232, %mul3A_234 : vector<16xi32>
      %shift_right_arithmetic3A_236 = arith.constant 16 : i32
      %shift_right_arithmetic3A_237 = vector.broadcast %shift_right_arithmetic3A_236 : i32 to vector<16xi32>
      %shift_right_arithmetic3A_238 = arith.shrsi %mul3A_235, %shift_right_arithmetic3A_237 : vector<16xi32>
      %mul3A_239 = arith.constant 20 : i32
      %mul3A_240 = vector.broadcast %mul3A_239 : i32 to vector<16xi32>
      %mul3A_241 = arith.muli %mul3A_240, %shift_right_arithmetic3A_238 : vector<16xi32>
      %sub3A_242 = arith.subi %add3A_230, %mul3A_241 : vector<16xi32>
      %gather3A = tpu.vector_load_idx %arg10[%shift_right_arithmetic3A_238, %sub3A_242] : memref<128x128xi32, #tpu.memory_space<vmem>>[vector<16xi32>, vector<16xi32>], vector<16xi32>,
      %ge3A = arith.constant 50 : i32
      %ge3A_243 = vector.broadcast %ge3A : i32 to vector<16xi32>
      %ge3A_244 = arith.cmpi sge, %gather3A, %ge3A_243 : vector<16xi32>
      %gather3A_245 = tpu.vector_load_idx %arg9[%shift_right_arithmetic3A_238, %gather3A] : memref<128x128xf32, #tpu.memory_space<vmem>>[vector<16xi32>, vector<16xi32>], vector<16xf32>,
      %select_n3A_246 = arith.select %ge3A_244, %broadcast_in_dim3A_3, %gather3A_245 : vector<16xi1>, vector<16xf32>
      %add3A_247 = arith.constant 0 : i32
      %add3A_248 = vector.broadcast %add3A_247 : i32 to vector<16xi32>
      %add3A_249 = arith.addi %add3A_248, %shift_right_arithmetic3A_238 : vector<16xi32>
      tpu.vector_store_idx %arg11[%add3A_249, %sub3A_242], %select_n3A_246 : memref<512x24xf32, #tpu.memory_space<vmem>>[vector<16xi32>, vector<16xi32>], vector<16xf32>,
      %min3A = arith.minimumf %scan3A_225, %select_n3A_246 : vector<16xf32>
      %max3A = arith.maximumf %scan3A_226, %select_n3A_246 : vector<16xf32>
      scf.yield %min3A, %max3A : vector<16xf32>, vector<16xf32>
    }
    %scan3A_50 = arith.constant 160 : i32
    %mul3A_51 = arith.constant 512 : i32
    %mul3A_52 = arith.muli %add3A, %mul3A_51 : i32
    %add3A_53 = arith.constant 128 : i32
    %add3A_54 = arith.addi %mul3A_52, %add3A_53 : i32
    %jit3A_55 = arith.constant 128 : i32
    %div3A_56 = arith.divsi %add3A_54, %jit3A_55 : i32
    %sign3A_57 = arith.constant 0 : i32
    %sign3A_58 = arith.cmpi sgt, %add3A_54, %sign3A_57 : i32
    %sign3A_59 = arith.extui %sign3A_58 : i1 to i32
    %sign3A_60 = arith.constant 0 : i32
    %sign3A_61 = arith.cmpi slt, %add3A_54, %sign3A_60 : i32
    %sign3A_62 = arith.extui %sign3A_61 : i1 to i32
    %sign3A_63 = arith.subi %sign3A_59, %sign3A_62 : i32
    %sign3A_64 = arith.constant 0 : i32
    %sign3A_65 = arith.cmpi sgt, %jit3A_55, %sign3A_64 : i32
    %sign3A_66 = arith.extui %sign3A_65 : i1 to i32
    %sign3A_67 = arith.constant 0 : i32
    %sign3A_68 = arith.cmpi slt, %jit3A_55, %sign3A_67 : i32
    %sign3A_69 = arith.extui %sign3A_68 : i1 to i32
    %sign3A_70 = arith.subi %sign3A_66, %sign3A_69 : i32
    %ne3A_71 = arith.cmpi ne, %sign3A_63, %sign3A_70 : i32
    %rem3A_72 = arith.remsi %add3A_54, %jit3A_55 : i32
    %ne3A_73 = arith.constant 0 : i32
    %ne3A_74 = arith.cmpi ne, %rem3A_72, %ne3A_73 : i32
    %and3A_75 = arith.andi %ne3A_71, %ne3A_74 : i1
    %sub3A_76 = arith.constant 1 : i32
    %sub3A_77 = arith.subi %div3A_56, %sub3A_76 : i32
    %select_n3A_78 = arith.select %and3A_75, %sub3A_77, %div3A_56 : i32
    "tpu.region"() ({
      %run_scoped3A = tpu.sem_alloc : memref<!tpu.dma_semaphore, #tpu.memory_space<semaphore_mem>>
      %dma_start3A_224 = arith.constant 0 : i32
      %dma_start3A_225 = tpu.memref_slice %arg4[%select_n3A_78, %dma_start3A_224] : memref<128x128xi32, #tpu.memory_space<hbm>> -> memref<1x128xi32, #tpu.memory_space<hbm>>
      %dma_start3A_226 = arith.constant 0 : i32
      %dma_start3A_227 = tpu.memref_slice %arg4[%select_n3A_78, %dma_start3A_226] : memref<128x128xi32, #tpu.memory_space<hbm>> -> memref<1x128xi32, #tpu.memory_space<hbm>>
      tpu.enqueue_dma source(%dma_start3A_227 : memref<1x128xi32, #tpu.memory_space<hbm>>) target(%arg8 : memref<1x128xi32, #tpu.memory_space<vmem>>) target_semaphore(%run_scoped3A : memref<!tpu.dma_semaphore, #tpu.memory_space<semaphore_mem>>)
      %dma_wait3A_228 = arith.constant 0 : i32
      %dma_wait3A_229 = tpu.memref_slice %arg4[%select_n3A_78, %dma_wait3A_228] : memref<128x128xi32, #tpu.memory_space<hbm>> -> memref<1x128xi32, #tpu.memory_space<hbm>>
      %dma_wait3A_230 = arith.constant 0 : i32
      %dma_wait3A_231 = tpu.memref_slice %arg4[%select_n3A_78, %dma_wait3A_230] : memref<128x128xi32, #tpu.memory_space<hbm>> -> memref<1x128xi32, #tpu.memory_space<hbm>>
      tpu.wait_dma2 semaphore(%run_scoped3A : memref<!tpu.dma_semaphore, #tpu.memory_space<semaphore_mem>>) src(%dma_wait3A_231 : memref<1x128xi32, #tpu.memory_space<hbm>>) dst(%arg8 : memref<1x128xi32, #tpu.memory_space<vmem>>)
      tpu.yield
    }) : () -> ()
    %dma_start3A_79 = arith.constant 0 : i32
    %dma_start3A_80 = arith.constant 0 : i32
    %dma_start3A_81 = tpu.memref_slice %arg8[%dma_start3A_79, %dma_start3A_80] : memref<1x128xi32, #tpu.memory_space<vmem>> -> memref<1x128xi32, #tpu.memory_space<vmem>>
    %dma_start3A_82 = tpu.memref_squeeze %dma_start3A_81 : memref<1x128xi32, #tpu.memory_space<vmem>> -> memref<128xi32, #tpu.memory_space<vmem>>
    %dma_start3A_83 = arith.constant 0 : i32
    %dma_start3A_84 = arith.constant 0 : i32
    %dma_start3A_85 = tpu.memref_slice %arg2[%dma_start3A_83, %dma_start3A_84] : memref<100352x128xf32, #tpu.memory_space<hbm>> -> memref<100352x128xf32, #tpu.memory_space<hbm>>
    tpu.enqueue_indirect_dma source(%dma_start3A_85 : memref<100352x128xf32, #tpu.memory_space<hbm>>) target(%arg9 : memref<128x128xf32, #tpu.memory_space<vmem>>) offsets(%dma_start3A_82 : memref<128xi32, #tpu.memory_space<vmem>>) semaphore(%arg14 : memref<!tpu.dma_semaphore, #tpu.memory_space<semaphore_mem>>)
    %dma_start3A_86 = arith.constant 0 : i32
    %dma_start3A_87 = tpu.memref_slice %arg3[%add3A_54, %dma_start3A_86] : memref<16384x128xi32, #tpu.memory_space<hbm>> -> memref<128x128xi32, #tpu.memory_space<hbm>>
    %dma_start3A_88 = arith.constant 0 : i32
    %dma_start3A_89 = tpu.memref_slice %arg3[%add3A_54, %dma_start3A_88] : memref<16384x128xi32, #tpu.memory_space<hbm>> -> memref<128x128xi32, #tpu.memory_space<hbm>>
    tpu.enqueue_dma source(%dma_start3A_89 : memref<128x128xi32, #tpu.memory_space<hbm>>) target(%arg10 : memref<128x128xi32, #tpu.memory_space<vmem>>) target_semaphore(%arg14 : memref<!tpu.dma_semaphore, #tpu.memory_space<semaphore_mem>>)
    %dma_wait3A_90 = arith.constant 0 : i32
    %dma_wait3A_91 = arith.constant 0 : i32
    %dma_wait3A_92 = tpu.memref_slice %arg8[%dma_wait3A_90, %dma_wait3A_91] : memref<1x128xi32, #tpu.memory_space<vmem>> -> memref<1x128xi32, #tpu.memory_space<vmem>>
    %dma_wait3A_93 = tpu.memref_squeeze %dma_wait3A_92 : memref<1x128xi32, #tpu.memory_space<vmem>> -> memref<128xi32, #tpu.memory_space<vmem>>
    %dma_wait3A_94 = arith.constant 0 : i32
    %dma_wait3A_95 = arith.constant 0 : i32
    %dma_wait3A_96 = tpu.memref_slice %arg2[%dma_wait3A_94, %dma_wait3A_95] : memref<100352x128xf32, #tpu.memory_space<hbm>> -> memref<100352x128xf32, #tpu.memory_space<hbm>>
    tpu.wait_indirect_dma semaphore(%arg14 : memref<!tpu.dma_semaphore, #tpu.memory_space<semaphore_mem>>) src(%dma_wait3A_96 : memref<100352x128xf32, #tpu.memory_space<hbm>>) dst(%arg9 : memref<128x128xf32, #tpu.memory_space<vmem>>)
    %dma_wait3A_97 = arith.constant 0 : i32
    %dma_wait3A_98 = tpu.memref_slice %arg3[%add3A_54, %dma_wait3A_97] : memref<16384x128xi32, #tpu.memory_space<hbm>> -> memref<128x128xi32, #tpu.memory_space<hbm>>
    %dma_wait3A_99 = arith.constant 0 : i32
    %dma_wait3A_100 = tpu.memref_slice %arg3[%add3A_54, %dma_wait3A_99] : memref<16384x128xi32, #tpu.memory_space<hbm>> -> memref<128x128xi32, #tpu.memory_space<hbm>>
    tpu.wait_dma2 semaphore(%arg14 : memref<!tpu.dma_semaphore, #tpu.memory_space<semaphore_mem>>) src(%dma_wait3A_100 : memref<128x128xi32, #tpu.memory_space<hbm>>) dst(%arg10 : memref<128x128xi32, #tpu.memory_space<vmem>>)
    %scan3A_101 = arith.constant 0 : i32
    %scan3A_102 = arith.constant 160 : i32
    %scan3A_103 = arith.addi %scan3A_101, %scan3A_102 : i32
    %scan3A_104 = arith.constant 1 : i32
    %scan3A_105:2 = scf.for %scan3A_224 = %scan3A_101 to %scan3A_103 step %scan3A_104 iter_args(%scan3A_225 = %scan3A_49#0, %scan3A_226 = %scan3A_49#1) -> (vector<16xf32>, vector<16xf32>)  : i32 {
      %mul3A_227 = arith.constant 16 : i32
      %mul3A_228 = arith.muli %scan3A_224, %mul3A_227 : i32
      %add3A_229 = vector.broadcast %mul3A_228 : i32 to vector<16xi32>
      %add3A_230 = arith.addi %add3A_229, %iota3A : vector<16xi32>
      %shift_right_arithmetic3A = arith.constant 2 : i32
      %shift_right_arithmetic3A_231 = vector.broadcast %shift_right_arithmetic3A : i32 to vector<16xi32>
      %shift_right_arithmetic3A_232 = arith.shrsi %add3A_230, %shift_right_arithmetic3A_231 : vector<16xi32>
      %mul3A_233 = arith.constant 13108 : i32
      %mul3A_234 = vector.broadcast %mul3A_233 : i32 to vector<16xi32>
      %mul3A_235 = arith.muli %shift_right_arithmetic3A_232, %mul3A_234 : vector<16xi32>
      %shift_right_arithmetic3A_236 = arith.constant 16 : i32
      %shift_right_arithmetic3A_237 = vector.broadcast %shift_right_arithmetic3A_236 : i32 to vector<16xi32>
      %shift_right_arithmetic3A_238 = arith.shrsi %mul3A_235, %shift_right_arithmetic3A_237 : vector<16xi32>
      %mul3A_239 = arith.constant 20 : i32
      %mul3A_240 = vector.broadcast %mul3A_239 : i32 to vector<16xi32>
      %mul3A_241 = arith.muli %mul3A_240, %shift_right_arithmetic3A_238 : vector<16xi32>
      %sub3A_242 = arith.subi %add3A_230, %mul3A_241 : vector<16xi32>
      %gather3A = tpu.vector_load_idx %arg10[%shift_right_arithmetic3A_238, %sub3A_242] : memref<128x128xi32, #tpu.memory_space<vmem>>[vector<16xi32>, vector<16xi32>], vector<16xi32>,
      %ge3A = arith.constant 50 : i32
      %ge3A_243 = vector.broadcast %ge3A : i32 to vector<16xi32>
      %ge3A_244 = arith.cmpi sge, %gather3A, %ge3A_243 : vector<16xi32>
      %gather3A_245 = tpu.vector_load_idx %arg9[%shift_right_arithmetic3A_238, %gather3A] : memref<128x128xf32, #tpu.memory_space<vmem>>[vector<16xi32>, vector<16xi32>], vector<16xf32>,
      %select_n3A_246 = arith.select %ge3A_244, %broadcast_in_dim3A_3, %gather3A_245 : vector<16xi1>, vector<16xf32>
      %add3A_247 = arith.constant 128 : i32
      %add3A_248 = vector.broadcast %add3A_247 : i32 to vector<16xi32>
      %add3A_249 = arith.addi %add3A_248, %shift_right_arithmetic3A_238 : vector<16xi32>
      tpu.vector_store_idx %arg11[%add3A_249, %sub3A_242], %select_n3A_246 : memref<512x24xf32, #tpu.memory_space<vmem>>[vector<16xi32>, vector<16xi32>], vector<16xf32>,
      %min3A = arith.minimumf %scan3A_225, %select_n3A_246 : vector<16xf32>
      %max3A = arith.maximumf %scan3A_226, %select_n3A_246 : vector<16xf32>
      scf.yield %min3A, %max3A : vector<16xf32>, vector<16xf32>
    }
    %scan3A_106 = arith.constant 160 : i32
    %mul3A_107 = arith.constant 512 : i32
    %mul3A_108 = arith.muli %add3A, %mul3A_107 : i32
    %add3A_109 = arith.constant 256 : i32
    %add3A_110 = arith.addi %mul3A_108, %add3A_109 : i32
    %jit3A_111 = arith.constant 128 : i32
    %div3A_112 = arith.divsi %add3A_110, %jit3A_111 : i32
    %sign3A_113 = arith.constant 0 : i32
    %sign3A_114 = arith.cmpi sgt, %add3A_110, %sign3A_113 : i32
    %sign3A_115 = arith.extui %sign3A_114 : i1 to i32
    %sign3A_116 = arith.constant 0 : i32
    %sign3A_117 = arith.cmpi slt, %add3A_110, %sign3A_116 : i32
    %sign3A_118 = arith.extui %sign3A_117 : i1 to i32
    %sign3A_119 = arith.subi %sign3A_115, %sign3A_118 : i32
    %sign3A_120 = arith.constant 0 : i32
    %sign3A_121 = arith.cmpi sgt, %jit3A_111, %sign3A_120 : i32
    %sign3A_122 = arith.extui %sign3A_121 : i1 to i32
    %sign3A_123 = arith.constant 0 : i32
    %sign3A_124 = arith.cmpi slt, %jit3A_111, %sign3A_123 : i32
    %sign3A_125 = arith.extui %sign3A_124 : i1 to i32
    %sign3A_126 = arith.subi %sign3A_122, %sign3A_125 : i32
    %ne3A_127 = arith.cmpi ne, %sign3A_119, %sign3A_126 : i32
    %rem3A_128 = arith.remsi %add3A_110, %jit3A_111 : i32
    %ne3A_129 = arith.constant 0 : i32
    %ne3A_130 = arith.cmpi ne, %rem3A_128, %ne3A_129 : i32
    %and3A_131 = arith.andi %ne3A_127, %ne3A_130 : i1
    %sub3A_132 = arith.constant 1 : i32
    %sub3A_133 = arith.subi %div3A_112, %sub3A_132 : i32
    %select_n3A_134 = arith.select %and3A_131, %sub3A_133, %div3A_112 : i32
    "tpu.region"() ({
      %run_scoped3A = tpu.sem_alloc : memref<!tpu.dma_semaphore, #tpu.memory_space<semaphore_mem>>
      %dma_start3A_224 = arith.constant 0 : i32
      %dma_start3A_225 = tpu.memref_slice %arg4[%select_n3A_134, %dma_start3A_224] : memref<128x128xi32, #tpu.memory_space<hbm>> -> memref<1x128xi32, #tpu.memory_space<hbm>>
      %dma_start3A_226 = arith.constant 0 : i32
      %dma_start3A_227 = tpu.memref_slice %arg4[%select_n3A_134, %dma_start3A_226] : memref<128x128xi32, #tpu.memory_space<hbm>> -> memref<1x128xi32, #tpu.memory_space<hbm>>
      tpu.enqueue_dma source(%dma_start3A_227 : memref<1x128xi32, #tpu.memory_space<hbm>>) target(%arg8 : memref<1x128xi32, #tpu.memory_space<vmem>>) target_semaphore(%run_scoped3A : memref<!tpu.dma_semaphore, #tpu.memory_space<semaphore_mem>>)
      %dma_wait3A_228 = arith.constant 0 : i32
      %dma_wait3A_229 = tpu.memref_slice %arg4[%select_n3A_134, %dma_wait3A_228] : memref<128x128xi32, #tpu.memory_space<hbm>> -> memref<1x128xi32, #tpu.memory_space<hbm>>
      %dma_wait3A_230 = arith.constant 0 : i32
      %dma_wait3A_231 = tpu.memref_slice %arg4[%select_n3A_134, %dma_wait3A_230] : memref<128x128xi32, #tpu.memory_space<hbm>> -> memref<1x128xi32, #tpu.memory_space<hbm>>
      tpu.wait_dma2 semaphore(%run_scoped3A : memref<!tpu.dma_semaphore, #tpu.memory_space<semaphore_mem>>) src(%dma_wait3A_231 : memref<1x128xi32, #tpu.memory_space<hbm>>) dst(%arg8 : memref<1x128xi32, #tpu.memory_space<vmem>>)
      tpu.yield
    }) : () -> ()
    %dma_start3A_135 = arith.constant 0 : i32
    %dma_start3A_136 = arith.constant 0 : i32
    %dma_start3A_137 = tpu.memref_slice %arg8[%dma_start3A_135, %dma_start3A_136] : memref<1x128xi32, #tpu.memory_space<vmem>> -> memref<1x128xi32, #tpu.memory_space<vmem>>
    %dma_start3A_138 = tpu.memref_squeeze %dma_start3A_137 : memref<1x128xi32, #tpu.memory_space<vmem>> -> memref<128xi32, #tpu.memory_space<vmem>>
    %dma_start3A_139 = arith.constant 0 : i32
    %dma_start3A_140 = arith.constant 0 : i32
    %dma_start3A_141 = tpu.memref_slice %arg2[%dma_start3A_139, %dma_start3A_140] : memref<100352x128xf32, #tpu.memory_space<hbm>> -> memref<100352x128xf32, #tpu.memory_space<hbm>>
    tpu.enqueue_indirect_dma source(%dma_start3A_141 : memref<100352x128xf32, #tpu.memory_space<hbm>>) target(%arg9 : memref<128x128xf32, #tpu.memory_space<vmem>>) offsets(%dma_start3A_138 : memref<128xi32, #tpu.memory_space<vmem>>) semaphore(%arg14 : memref<!tpu.dma_semaphore, #tpu.memory_space<semaphore_mem>>)
    %dma_start3A_142 = arith.constant 0 : i32
    %dma_start3A_143 = tpu.memref_slice %arg3[%add3A_110, %dma_start3A_142] : memref<16384x128xi32, #tpu.memory_space<hbm>> -> memref<128x128xi32, #tpu.memory_space<hbm>>
    %dma_start3A_144 = arith.constant 0 : i32
    %dma_start3A_145 = tpu.memref_slice %arg3[%add3A_110, %dma_start3A_144] : memref<16384x128xi32, #tpu.memory_space<hbm>> -> memref<128x128xi32, #tpu.memory_space<hbm>>
    tpu.enqueue_dma source(%dma_start3A_145 : memref<128x128xi32, #tpu.memory_space<hbm>>) target(%arg10 : memref<128x128xi32, #tpu.memory_space<vmem>>) target_semaphore(%arg14 : memref<!tpu.dma_semaphore, #tpu.memory_space<semaphore_mem>>)
    %dma_wait3A_146 = arith.constant 0 : i32
    %dma_wait3A_147 = arith.constant 0 : i32
    %dma_wait3A_148 = tpu.memref_slice %arg8[%dma_wait3A_146, %dma_wait3A_147] : memref<1x128xi32, #tpu.memory_space<vmem>> -> memref<1x128xi32, #tpu.memory_space<vmem>>
    %dma_wait3A_149 = tpu.memref_squeeze %dma_wait3A_148 : memref<1x128xi32, #tpu.memory_space<vmem>> -> memref<128xi32, #tpu.memory_space<vmem>>
    %dma_wait3A_150 = arith.constant 0 : i32
    %dma_wait3A_151 = arith.constant 0 : i32
    %dma_wait3A_152 = tpu.memref_slice %arg2[%dma_wait3A_150, %dma_wait3A_151] : memref<100352x128xf32, #tpu.memory_space<hbm>> -> memref<100352x128xf32, #tpu.memory_space<hbm>>
    tpu.wait_indirect_dma semaphore(%arg14 : memref<!tpu.dma_semaphore, #tpu.memory_space<semaphore_mem>>) src(%dma_wait3A_152 : memref<100352x128xf32, #tpu.memory_space<hbm>>) dst(%arg9 : memref<128x128xf32, #tpu.memory_space<vmem>>)
    %dma_wait3A_153 = arith.constant 0 : i32
    %dma_wait3A_154 = tpu.memref_slice %arg3[%add3A_110, %dma_wait3A_153] : memref<16384x128xi32, #tpu.memory_space<hbm>> -> memref<128x128xi32, #tpu.memory_space<hbm>>
    %dma_wait3A_155 = arith.constant 0 : i32
    %dma_wait3A_156 = tpu.memref_slice %arg3[%add3A_110, %dma_wait3A_155] : memref<16384x128xi32, #tpu.memory_space<hbm>> -> memref<128x128xi32, #tpu.memory_space<hbm>>
    tpu.wait_dma2 semaphore(%arg14 : memref<!tpu.dma_semaphore, #tpu.memory_space<semaphore_mem>>) src(%dma_wait3A_156 : memref<128x128xi32, #tpu.memory_space<hbm>>) dst(%arg10 : memref<128x128xi32, #tpu.memory_space<vmem>>)
    %scan3A_157 = arith.constant 0 : i32
    %scan3A_158 = arith.constant 160 : i32
    %scan3A_159 = arith.addi %scan3A_157, %scan3A_158 : i32
    %scan3A_160 = arith.constant 1 : i32
    %scan3A_161:2 = scf.for %scan3A_224 = %scan3A_157 to %scan3A_159 step %scan3A_160 iter_args(%scan3A_225 = %scan3A_105#0, %scan3A_226 = %scan3A_105#1) -> (vector<16xf32>, vector<16xf32>)  : i32 {
      %mul3A_227 = arith.constant 16 : i32
      %mul3A_228 = arith.muli %scan3A_224, %mul3A_227 : i32
      %add3A_229 = vector.broadcast %mul3A_228 : i32 to vector<16xi32>
      %add3A_230 = arith.addi %add3A_229, %iota3A : vector<16xi32>
      %shift_right_arithmetic3A = arith.constant 2 : i32
      %shift_right_arithmetic3A_231 = vector.broadcast %shift_right_arithmetic3A : i32 to vector<16xi32>
      %shift_right_arithmetic3A_232 = arith.shrsi %add3A_230, %shift_right_arithmetic3A_231 : vector<16xi32>
      %mul3A_233 = arith.constant 13108 : i32
      %mul3A_234 = vector.broadcast %mul3A_233 : i32 to vector<16xi32>
      %mul3A_235 = arith.muli %shift_right_arithmetic3A_232, %mul3A_234 : vector<16xi32>
      %shift_right_arithmetic3A_236 = arith.constant 16 : i32
      %shift_right_arithmetic3A_237 = vector.broadcast %shift_right_arithmetic3A_236 : i32 to vector<16xi32>
      %shift_right_arithmetic3A_238 = arith.shrsi %mul3A_235, %shift_right_arithmetic3A_237 : vector<16xi32>
      %mul3A_239 = arith.constant 20 : i32
      %mul3A_240 = vector.broadcast %mul3A_239 : i32 to vector<16xi32>
      %mul3A_241 = arith.muli %mul3A_240, %shift_right_arithmetic3A_238 : vector<16xi32>
      %sub3A_242 = arith.subi %add3A_230, %mul3A_241 : vector<16xi32>
      %gather3A = tpu.vector_load_idx %arg10[%shift_right_arithmetic3A_238, %sub3A_242] : memref<128x128xi32, #tpu.memory_space<vmem>>[vector<16xi32>, vector<16xi32>], vector<16xi32>,
      %ge3A = arith.constant 50 : i32
      %ge3A_243 = vector.broadcast %ge3A : i32 to vector<16xi32>
      %ge3A_244 = arith.cmpi sge, %gather3A, %ge3A_243 : vector<16xi32>
      %gather3A_245 = tpu.vector_load_idx %arg9[%shift_right_arithmetic3A_238, %gather3A] : memref<128x128xf32, #tpu.memory_space<vmem>>[vector<16xi32>, vector<16xi32>], vector<16xf32>,
      %select_n3A_246 = arith.select %ge3A_244, %broadcast_in_dim3A_3, %gather3A_245 : vector<16xi1>, vector<16xf32>
      %add3A_247 = arith.constant 256 : i32
      %add3A_248 = vector.broadcast %add3A_247 : i32 to vector<16xi32>
      %add3A_249 = arith.addi %add3A_248, %shift_right_arithmetic3A_238 : vector<16xi32>
      tpu.vector_store_idx %arg11[%add3A_249, %sub3A_242], %select_n3A_246 : memref<512x24xf32, #tpu.memory_space<vmem>>[vector<16xi32>, vector<16xi32>], vector<16xf32>,
      %min3A = arith.minimumf %scan3A_225, %select_n3A_246 : vector<16xf32>
      %max3A = arith.maximumf %scan3A_226, %select_n3A_246 : vector<16xf32>
      scf.yield %min3A, %max3A : vector<16xf32>, vector<16xf32>
    }
    %scan3A_162 = arith.constant 160 : i32
    %mul3A_163 = arith.constant 512 : i32
    %mul3A_164 = arith.muli %add3A, %mul3A_163 : i32
    %add3A_165 = arith.constant 384 : i32
    %add3A_166 = arith.addi %mul3A_164, %add3A_165 : i32
    %jit3A_167 = arith.constant 128 : i32
    %div3A_168 = arith.divsi %add3A_166, %jit3A_167 : i32
    %sign3A_169 = arith.constant 0 : i32
    %sign3A_170 = arith.cmpi sgt, %add3A_166, %sign3A_169 : i32
    %sign3A_171 = arith.extui %sign3A_170 : i1 to i32
    %sign3A_172 = arith.constant 0 : i32
    %sign3A_173 = arith.cmpi slt, %add3A_166, %sign3A_172 : i32
    %sign3A_174 = arith.extui %sign3A_173 : i1 to i32
    %sign3A_175 = arith.subi %sign3A_171, %sign3A_174 : i32
    %sign3A_176 = arith.constant 0 : i32
    %sign3A_177 = arith.cmpi sgt, %jit3A_167, %sign3A_176 : i32
    %sign3A_178 = arith.extui %sign3A_177 : i1 to i32
    %sign3A_179 = arith.constant 0 : i32
    %sign3A_180 = arith.cmpi slt, %jit3A_167, %sign3A_179 : i32
    %sign3A_181 = arith.extui %sign3A_180 : i1 to i32
    %sign3A_182 = arith.subi %sign3A_178, %sign3A_181 : i32
    %ne3A_183 = arith.cmpi ne, %sign3A_175, %sign3A_182 : i32
    %rem3A_184 = arith.remsi %add3A_166, %jit3A_167 : i32
    %ne3A_185 = arith.constant 0 : i32
    %ne3A_186 = arith.cmpi ne, %rem3A_184, %ne3A_185 : i32
    %and3A_187 = arith.andi %ne3A_183, %ne3A_186 : i1
    %sub3A_188 = arith.constant 1 : i32
    %sub3A_189 = arith.subi %div3A_168, %sub3A_188 : i32
    %select_n3A_190 = arith.select %and3A_187, %sub3A_189, %div3A_168 : i32
    "tpu.region"() ({
      %run_scoped3A = tpu.sem_alloc : memref<!tpu.dma_semaphore, #tpu.memory_space<semaphore_mem>>
      %dma_start3A_224 = arith.constant 0 : i32
      %dma_start3A_225 = tpu.memref_slice %arg4[%select_n3A_190, %dma_start3A_224] : memref<128x128xi32, #tpu.memory_space<hbm>> -> memref<1x128xi32, #tpu.memory_space<hbm>>
      %dma_start3A_226 = arith.constant 0 : i32
      %dma_start3A_227 = tpu.memref_slice %arg4[%select_n3A_190, %dma_start3A_226] : memref<128x128xi32, #tpu.memory_space<hbm>> -> memref<1x128xi32, #tpu.memory_space<hbm>>
      tpu.enqueue_dma source(%dma_start3A_227 : memref<1x128xi32, #tpu.memory_space<hbm>>) target(%arg8 : memref<1x128xi32, #tpu.memory_space<vmem>>) target_semaphore(%run_scoped3A : memref<!tpu.dma_semaphore, #tpu.memory_space<semaphore_mem>>)
      %dma_wait3A_228 = arith.constant 0 : i32
      %dma_wait3A_229 = tpu.memref_slice %arg4[%select_n3A_190, %dma_wait3A_228] : memref<128x128xi32, #tpu.memory_space<hbm>> -> memref<1x128xi32, #tpu.memory_space<hbm>>
      %dma_wait3A_230 = arith.constant 0 : i32
      %dma_wait3A_231 = tpu.memref_slice %arg4[%select_n3A_190, %dma_wait3A_230] : memref<128x128xi32, #tpu.memory_space<hbm>> -> memref<1x128xi32, #tpu.memory_space<hbm>>
      tpu.wait_dma2 semaphore(%run_scoped3A : memref<!tpu.dma_semaphore, #tpu.memory_space<semaphore_mem>>) src(%dma_wait3A_231 : memref<1x128xi32, #tpu.memory_space<hbm>>) dst(%arg8 : memref<1x128xi32, #tpu.memory_space<vmem>>)
      tpu.yield
    }) : () -> ()
    %dma_start3A_191 = arith.constant 0 : i32
    %dma_start3A_192 = arith.constant 0 : i32
    %dma_start3A_193 = tpu.memref_slice %arg8[%dma_start3A_191, %dma_start3A_192] : memref<1x128xi32, #tpu.memory_space<vmem>> -> memref<1x128xi32, #tpu.memory_space<vmem>>
    %dma_start3A_194 = tpu.memref_squeeze %dma_start3A_193 : memref<1x128xi32, #tpu.memory_space<vmem>> -> memref<128xi32, #tpu.memory_space<vmem>>
    %dma_start3A_195 = arith.constant 0 : i32
    %dma_start3A_196 = arith.constant 0 : i32
    %dma_start3A_197 = tpu.memref_slice %arg2[%dma_start3A_195, %dma_start3A_196] : memref<100352x128xf32, #tpu.memory_space<hbm>> -> memref<100352x128xf32, #tpu.memory_space<hbm>>
    tpu.enqueue_indirect_dma source(%dma_start3A_197 : memref<100352x128xf32, #tpu.memory_space<hbm>>) target(%arg9 : memref<128x128xf32, #tpu.memory_space<vmem>>) offsets(%dma_start3A_194 : memref<128xi32, #tpu.memory_space<vmem>>) semaphore(%arg14 : memref<!tpu.dma_semaphore, #tpu.memory_space<semaphore_mem>>)
    %dma_start3A_198 = arith.constant 0 : i32
    %dma_start3A_199 = tpu.memref_slice %arg3[%add3A_166, %dma_start3A_198] : memref<16384x128xi32, #tpu.memory_space<hbm>> -> memref<128x128xi32, #tpu.memory_space<hbm>>
    %dma_start3A_200 = arith.constant 0 : i32
    %dma_start3A_201 = tpu.memref_slice %arg3[%add3A_166, %dma_start3A_200] : memref<16384x128xi32, #tpu.memory_space<hbm>> -> memref<128x128xi32, #tpu.memory_space<hbm>>
    tpu.enqueue_dma source(%dma_start3A_201 : memref<128x128xi32, #tpu.memory_space<hbm>>) target(%arg10 : memref<128x128xi32, #tpu.memory_space<vmem>>) target_semaphore(%arg14 : memref<!tpu.dma_semaphore, #tpu.memory_space<semaphore_mem>>)
    %dma_wait3A_202 = arith.constant 0 : i32
    %dma_wait3A_203 = arith.constant 0 : i32
    %dma_wait3A_204 = tpu.memref_slice %arg8[%dma_wait3A_202, %dma_wait3A_203] : memref<1x128xi32, #tpu.memory_space<vmem>> -> memref<1x128xi32, #tpu.memory_space<vmem>>
    %dma_wait3A_205 = tpu.memref_squeeze %dma_wait3A_204 : memref<1x128xi32, #tpu.memory_space<vmem>> -> memref<128xi32, #tpu.memory_space<vmem>>
    %dma_wait3A_206 = arith.constant 0 : i32
    %dma_wait3A_207 = arith.constant 0 : i32
    %dma_wait3A_208 = tpu.memref_slice %arg2[%dma_wait3A_206, %dma_wait3A_207] : memref<100352x128xf32, #tpu.memory_space<hbm>> -> memref<100352x128xf32, #tpu.memory_space<hbm>>
    tpu.wait_indirect_dma semaphore(%arg14 : memref<!tpu.dma_semaphore, #tpu.memory_space<semaphore_mem>>) src(%dma_wait3A_208 : memref<100352x128xf32, #tpu.memory_space<hbm>>) dst(%arg9 : memref<128x128xf32, #tpu.memory_space<vmem>>)
    %dma_wait3A_209 = arith.constant 0 : i32
    %dma_wait3A_210 = tpu.memref_slice %arg3[%add3A_166, %dma_wait3A_209] : memref<16384x128xi32, #tpu.memory_space<hbm>> -> memref<128x128xi32, #tpu.memory_space<hbm>>
    %dma_wait3A_211 = arith.constant 0 : i32
    %dma_wait3A_212 = tpu.memref_slice %arg3[%add3A_166, %dma_wait3A_211] : memref<16384x128xi32, #tpu.memory_space<hbm>> -> memref<128x128xi32, #tpu.memory_space<hbm>>
    tpu.wait_dma2 semaphore(%arg14 : memref<!tpu.dma_semaphore, #tpu.memory_space<semaphore_mem>>) src(%dma_wait3A_212 : memref<128x128xi32, #tpu.memory_space<hbm>>) dst(%arg10 : memref<128x128xi32, #tpu.memory_space<vmem>>)
    %scan3A_213 = arith.constant 0 : i32
    %scan3A_214 = arith.constant 160 : i32
    %scan3A_215 = arith.addi %scan3A_213, %scan3A_214 : i32
    %scan3A_216 = arith.constant 1 : i32
    %scan3A_217:2 = scf.for %scan3A_224 = %scan3A_213 to %scan3A_215 step %scan3A_216 iter_args(%scan3A_225 = %scan3A_161#0, %scan3A_226 = %scan3A_161#1) -> (vector<16xf32>, vector<16xf32>)  : i32 {
      %mul3A_227 = arith.constant 16 : i32
      %mul3A_228 = arith.muli %scan3A_224, %mul3A_227 : i32
      %add3A_229 = vector.broadcast %mul3A_228 : i32 to vector<16xi32>
      %add3A_230 = arith.addi %add3A_229, %iota3A : vector<16xi32>
      %shift_right_arithmetic3A = arith.constant 2 : i32
      %shift_right_arithmetic3A_231 = vector.broadcast %shift_right_arithmetic3A : i32 to vector<16xi32>
      %shift_right_arithmetic3A_232 = arith.shrsi %add3A_230, %shift_right_arithmetic3A_231 : vector<16xi32>
      %mul3A_233 = arith.constant 13108 : i32
      %mul3A_234 = vector.broadcast %mul3A_233 : i32 to vector<16xi32>
      %mul3A_235 = arith.muli %shift_right_arithmetic3A_232, %mul3A_234 : vector<16xi32>
      %shift_right_arithmetic3A_236 = arith.constant 16 : i32
      %shift_right_arithmetic3A_237 = vector.broadcast %shift_right_arithmetic3A_236 : i32 to vector<16xi32>
      %shift_right_arithmetic3A_238 = arith.shrsi %mul3A_235, %shift_right_arithmetic3A_237 : vector<16xi32>
      %mul3A_239 = arith.constant 20 : i32
      %mul3A_240 = vector.broadcast %mul3A_239 : i32 to vector<16xi32>
      %mul3A_241 = arith.muli %mul3A_240, %shift_right_arithmetic3A_238 : vector<16xi32>
      %sub3A_242 = arith.subi %add3A_230, %mul3A_241 : vector<16xi32>
      %gather3A = tpu.vector_load_idx %arg10[%shift_right_arithmetic3A_238, %sub3A_242] : memref<128x128xi32, #tpu.memory_space<vmem>>[vector<16xi32>, vector<16xi32>], vector<16xi32>,
      %ge3A = arith.constant 50 : i32
      %ge3A_243 = vector.broadcast %ge3A : i32 to vector<16xi32>
      %ge3A_244 = arith.cmpi sge, %gather3A, %ge3A_243 : vector<16xi32>
      %gather3A_245 = tpu.vector_load_idx %arg9[%shift_right_arithmetic3A_238, %gather3A] : memref<128x128xf32, #tpu.memory_space<vmem>>[vector<16xi32>, vector<16xi32>], vector<16xf32>,
      %select_n3A_246 = arith.select %ge3A_244, %broadcast_in_dim3A_3, %gather3A_245 : vector<16xi1>, vector<16xf32>
      %add3A_247 = arith.constant 384 : i32
      %add3A_248 = vector.broadcast %add3A_247 : i32 to vector<16xi32>
      %add3A_249 = arith.addi %add3A_248, %shift_right_arithmetic3A_238 : vector<16xi32>
      tpu.vector_store_idx %arg11[%add3A_249, %sub3A_242], %select_n3A_246 : memref<512x24xf32, #tpu.memory_space<vmem>>[vector<16xi32>, vector<16xi32>], vector<16xf32>,
      %min3A = arith.minimumf %scan3A_225, %select_n3A_246 : vector<16xf32>
      %max3A = arith.maximumf %scan3A_226, %select_n3A_246 : vector<16xf32>
      scf.yield %min3A, %max3A : vector<16xf32>, vector<16xf32>
    }
    %scan3A_218 = arith.constant 160 : i32
    %mul3A_219 = arith.constant 512 : i32
    %mul3A_220 = arith.muli %add3A, %mul3A_219 : i32
    "tpu.region"() ({
      %run_scoped3A = tpu.sem_alloc : memref<!tpu.dma_semaphore, #tpu.memory_space<semaphore_mem>>
      %dma_start3A_224 = arith.constant 0 : i32
      %dma_start3A_225 = tpu.memref_slice %arg5[%mul3A_220, %dma_start3A_224] : memref<16384x24xf32, #tpu.memory_space<hbm>> -> memref<512x24xf32, #tpu.memory_space<hbm>>
      %dma_start3A_226 = arith.constant 0 : i32
      %dma_start3A_227 = tpu.memref_slice %arg5[%mul3A_220, %dma_start3A_226] : memref<16384x24xf32, #tpu.memory_space<hbm>> -> memref<512x24xf32, #tpu.memory_space<hbm>>
      tpu.enqueue_dma source(%arg11 : memref<512x24xf32, #tpu.memory_space<vmem>>) target(%dma_start3A_227 : memref<512x24xf32, #tpu.memory_space<hbm>>) target_semaphore(%run_scoped3A : memref<!tpu.dma_semaphore, #tpu.memory_space<semaphore_mem>>)
      %dma_wait3A_228 = arith.constant 0 : i32
      %dma_wait3A_229 = tpu.memref_slice %arg5[%mul3A_220, %dma_wait3A_228] : memref<16384x24xf32, #tpu.memory_space<hbm>> -> memref<512x24xf32, #tpu.memory_space<hbm>>
      %dma_wait3A_230 = arith.constant 0 : i32
      %dma_wait3A_231 = tpu.memref_slice %arg5[%mul3A_220, %dma_wait3A_230] : memref<16384x24xf32, #tpu.memory_space<hbm>> -> memref<512x24xf32, #tpu.memory_space<hbm>>
      tpu.wait_dma2 semaphore(%run_scoped3A : memref<!tpu.dma_semaphore, #tpu.memory_space<semaphore_mem>>) src(%arg11 : memref<512x24xf32, #tpu.memory_space<vmem>>) dst(%dma_wait3A_231 : memref<512x24xf32, #tpu.memory_space<hbm>>)
      tpu.yield
    }) : () -> ()
    %swap3A = arith.constant 0 : index
    %swap3A_221 = tpu.vector_load %arg12[%swap3A] {strides = array<i32>} : memref<16xf32, #tpu.memory_space<vmem>>, vector<16xf32>,
    tpu.vector_store %arg12[%swap3A], %scan3A_217#0 {strides = array<i32>} : memref<16xf32, #tpu.memory_space<vmem>>, vector<16xf32>,
    %swap3A_222 = arith.constant 0 : index
    %swap3A_223 = tpu.vector_load %arg13[%swap3A_222] {strides = array<i32>} : memref<16xf32, #tpu.memory_space<vmem>>, vector<16xf32>,
    tpu.vector_store %arg13[%swap3A_222], %scan3A_217#1 {strides = array<i32>} : memref<16xf32, #tpu.memory_space<vmem>>, vector<16xf32>,
    "tpu.region"() ({
      %run_scoped3A = tpu.sem_alloc : memref<!tpu.dma_semaphore, #tpu.memory_space<semaphore_mem>>
      %dma_start3A_224 = arith.constant 0 : i32
      %dma_start3A_225 = tpu.memref_slice %arg6[%add3A, %dma_start3A_224] : memref<32x16xf32, #tpu.memory_space<hbm>> -> memref<1x16xf32, #tpu.memory_space<hbm>>
      %dma_start3A_226 = tpu.memref_squeeze %dma_start3A_225 : memref<1x16xf32, #tpu.memory_space<hbm>> -> memref<16xf32, #tpu.memory_space<hbm>>
      %dma_start3A_227 = arith.constant 0 : i32
      %dma_start3A_228 = tpu.memref_slice %arg6[%add3A, %dma_start3A_227] : memref<32x16xf32, #tpu.memory_space<hbm>> -> memref<1x16xf32, #tpu.memory_space<hbm>>
      %dma_start3A_229 = tpu.memref_squeeze %dma_start3A_228 : memref<1x16xf32, #tpu.memory_space<hbm>> -> memref<16xf32, #tpu.memory_space<hbm>>
      tpu.enqueue_dma source(%arg12 : memref<16xf32, #tpu.memory_space<vmem>>) target(%dma_start3A_229 : memref<16xf32, #tpu.memory_space<hbm>>) target_semaphore(%run_scoped3A : memref<!tpu.dma_semaphore, #tpu.memory_space<semaphore_mem>>)
      %dma_wait3A_230 = arith.constant 0 : i32
      %dma_wait3A_231 = tpu.memref_slice %arg6[%add3A, %dma_wait3A_230] : memref<32x16xf32, #tpu.memory_space<hbm>> -> memref<1x16xf32, #tpu.memory_space<hbm>>
      %dma_wait3A_232 = tpu.memref_squeeze %dma_wait3A_231 : memref<1x16xf32, #tpu.memory_space<hbm>> -> memref<16xf32, #tpu.memory_space<hbm>>
      %dma_wait3A_233 = arith.constant 0 : i32
      %dma_wait3A_234 = tpu.memref_slice %arg6[%add3A, %dma_wait3A_233] : memref<32x16xf32, #tpu.memory_space<hbm>> -> memref<1x16xf32, #tpu.memory_space<hbm>>
      %dma_wait3A_235 = tpu.memref_squeeze %dma_wait3A_234 : memref<1x16xf32, #tpu.memory_space<hbm>> -> memref<16xf32, #tpu.memory_space<hbm>>
      tpu.wait_dma2 semaphore(%run_scoped3A : memref<!tpu.dma_semaphore, #tpu.memory_space<semaphore_mem>>) src(%arg12 : memref<16xf32, #tpu.memory_space<vmem>>) dst(%dma_wait3A_235 : memref<16xf32, #tpu.memory_space<hbm>>)
      tpu.yield
    }) : () -> ()
    "tpu.region"() ({
      %run_scoped3A = tpu.sem_alloc : memref<!tpu.dma_semaphore, #tpu.memory_space<semaphore_mem>>
      %dma_start3A_224 = arith.constant 0 : i32
      %dma_start3A_225 = tpu.memref_slice %arg7[%add3A, %dma_start3A_224] : memref<32x16xf32, #tpu.memory_space<hbm>> -> memref<1x16xf32, #tpu.memory_space<hbm>>
      %dma_start3A_226 = tpu.memref_squeeze %dma_start3A_225 : memref<1x16xf32, #tpu.memory_space<hbm>> -> memref<16xf32, #tpu.memory_space<hbm>>
      %dma_start3A_227 = arith.constant 0 : i32
      %dma_start3A_228 = tpu.memref_slice %arg7[%add3A, %dma_start3A_227] : memref<32x16xf32, #tpu.memory_space<hbm>> -> memref<1x16xf32, #tpu.memory_space<hbm>>
      %dma_start3A_229 = tpu.memref_squeeze %dma_start3A_228 : memref<1x16xf32, #tpu.memory_space<hbm>> -> memref<16xf32, #tpu.memory_space<hbm>>
      tpu.enqueue_dma source(%arg13 : memref<16xf32, #tpu.memory_space<vmem>>) target(%dma_start3A_229 : memref<16xf32, #tpu.memory_space<hbm>>) target_semaphore(%run_scoped3A : memref<!tpu.dma_semaphore, #tpu.memory_space<semaphore_mem>>)
      %dma_wait3A_230 = arith.constant 0 : i32
      %dma_wait3A_231 = tpu.memref_slice %arg7[%add3A, %dma_wait3A_230] : memref<32x16xf32, #tpu.memory_space<hbm>> -> memref<1x16xf32, #tpu.memory_space<hbm>>
      %dma_wait3A_232 = tpu.memref_squeeze %dma_wait3A_231 : memref<1x16xf32, #tpu.memory_space<hbm>> -> memref<16xf32, #tpu.memory_space<hbm>>
      %dma_wait3A_233 = arith.constant 0 : i32
      %dma_wait3A_234 = tpu.memref_slice %arg7[%add3A, %dma_wait3A_233] : memref<32x16xf32, #tpu.memory_space<hbm>> -> memref<1x16xf32, #tpu.memory_space<hbm>>
      %dma_wait3A_235 = tpu.memref_squeeze %dma_wait3A_234 : memref<1x16xf32, #tpu.memory_space<hbm>> -> memref<16xf32, #tpu.memory_space<hbm>>
      tpu.wait_dma2 semaphore(%run_scoped3A : memref<!tpu.dma_semaphore, #tpu.memory_space<semaphore_mem>>) src(%arg13 : memref<16xf32, #tpu.memory_space<vmem>>) dst(%dma_wait3A_235 : memref<16xf32, #tpu.memory_space<hbm>>)
      tpu.yield
    }) : () -> ()
    return
  }
}

module attributes {stable_mosaic.version = 14 : i64} {
  func.func @body(%arg0: i32, %arg1: memref<20x2048xi32, #tpu.memory_space<vmem>>, %arg2: memref<2048x128xi32, #tpu.memory_space<vmem>>) attributes {dimension_semantics = [#tpu.dimension_semantics<arbitrary>], iteration_bounds = array<i64: 8>, scalar_prefetch = 0 : i64, scratch_operands = 0 : i64, tpu.core_type = #tpu.core_type<tc>, window_params = [{transform_indices = @transform_0, window_bounds = array<i64: 20, 2048>}, {transform_indices = @transform_1, window_bounds = array<i64: 2048, 128>}]} {
    %get3A = arith.constant 0 : index
    %get3A_0 = arith.constant 0 : index
    %get3A_1 = vector.load %arg1[%get3A, %get3A_0] : memref<20x2048xi32, #tpu.memory_space<vmem>>, vector<20x2048xi32>
    %transpose3A = tpu.transpose %get3A_1, [1, 0] : vector<20x2048xi32> -> vector<2048x20xi32>
    %swap3A = arith.constant 0 : index
    %swap3A_2 = arith.constant 0 : index
    %swap3A_3 = vector.load %arg2[%swap3A, %swap3A_2] : memref<2048x128xi32, #tpu.memory_space<vmem>>, vector<2048x20xi32>
    tpu.vector_store %arg2[%swap3A, %swap3A_2], %transpose3A {strides = array<i32>} : memref<2048x128xi32, #tpu.memory_space<vmem>>, vector<2048x20xi32>,
    return
  }
  func.func @transform_0(%arg0: i32) -> (i32, i32) {
    %c0_i32 = arith.constant 0 : i32
    %c0_i32_0 = arith.constant 0 : i32
    return %c0_i32, %arg0 : i32, i32
  }
  func.func @transform_1(%arg0: i32) -> (i32, i32) {
    %c0_i32 = arith.constant 0 : i32
    %c0_i32_0 = arith.constant 0 : i32
    return %arg0, %c0_i32 : i32, i32
  }
}

module attributes {stable_mosaic.version = 14 : i64} {
  func.func @body(%arg0: i32, %arg1: memref<50x2048xf32, #tpu.memory_space<vmem>>, %arg2: memref<2048x128xf32, #tpu.memory_space<vmem>>) attributes {dimension_semantics = [#tpu.dimension_semantics<arbitrary>], iteration_bounds = array<i64: 49>, scalar_prefetch = 0 : i64, scratch_operands = 0 : i64, tpu.core_type = #tpu.core_type<tc>, window_params = [{transform_indices = @transform_0, window_bounds = array<i64: 50, 2048>}, {transform_indices = @transform_1, window_bounds = array<i64: 2048, 128>}]} {
    %get3A = arith.constant 0 : index
    %get3A_0 = arith.constant 0 : index
    %get3A_1 = vector.load %arg1[%get3A, %get3A_0] : memref<50x2048xf32, #tpu.memory_space<vmem>>, vector<50x2048xf32>
    %transpose3A = tpu.transpose %get3A_1, [1, 0] : vector<50x2048xf32> -> vector<2048x50xf32>
    %swap3A = arith.constant 0 : index
    %swap3A_2 = arith.constant 0 : index
    %swap3A_3 = vector.load %arg2[%swap3A, %swap3A_2] : memref<2048x128xf32, #tpu.memory_space<vmem>>, vector<2048x50xf32>
    tpu.vector_store %arg2[%swap3A, %swap3A_2], %transpose3A {strides = array<i32>} : memref<2048x128xf32, #tpu.memory_space<vmem>>, vector<2048x50xf32>,
    return
  }
  func.func @transform_0(%arg0: i32) -> (i32, i32) {
    %c0_i32 = arith.constant 0 : i32
    %c0_i32_0 = arith.constant 0 : i32
    return %c0_i32, %arg0 : i32, i32
  }
  func.func @transform_1(%arg0: i32) -> (i32, i32) {
    %c0_i32 = arith.constant 0 : i32
    %c0_i32_0 = arith.constant 0 : i32
    return %arg0, %c0_i32 : i32, i32
  }
}

module attributes {stable_mosaic.version = 14 : i64} {
  func.func @body(%arg0: i32, %arg1: memref<20x2048xi32, #tpu.memory_space<vmem>>, %arg2: memref<24x2048xf32, #tpu.memory_space<vmem>>, %arg3: memref<24x2048xf32, #tpu.memory_space<vmem>>, %arg4: memref<32x16xf32, #tpu.memory_space<vmem>>, %arg5: memref<32x16xf32, #tpu.memory_space<vmem>>, %arg6: memref<480x2048xf32, #tpu.memory_space<vmem>>) attributes {dimension_semantics = [#tpu.dimension_semantics<arbitrary>], iteration_bounds = array<i64: 8>, scalar_prefetch = 0 : i64, scratch_operands = 0 : i64, tpu.core_type = #tpu.core_type<tc>, window_params = [{transform_indices = @transform_0, window_bounds = array<i64: 20, 2048>}, {transform_indices = @transform_1, window_bounds = array<i64: 24, 2048>}, {transform_indices = @transform_2, window_bounds = array<i64: 24, 2048>}, {pipeline_mode = #tpu.pipeline_mode<synchronous>, transform_indices = @transform_3, window_bounds = array<i64: 32, 16>}, {pipeline_mode = #tpu.pipeline_mode<synchronous>, transform_indices = @transform_4, window_bounds = array<i64: 32, 16>}, {transform_indices = @transform_5, window_bounds = array<i64: 480, 2048>}]} {
    %get3A = arith.constant 0 : index
    %get3A_0 = arith.constant 0 : index
    %get3A_1 = vector.load %arg4[%get3A, %get3A_0] : memref<32x16xf32, #tpu.memory_space<vmem>>, vector<32x16xf32>
    %reduce_min3A = vector.shape_cast %get3A_1 : vector<32x16xf32> to vector<1x32x16xf32>
    %reduce_min3A_2 = arith.constant dense<0x7F800000> : vector<1xf32>
    %reduce_min3A_3 = vector.multi_reduction <minimumf>, %reduce_min3A, %reduce_min3A_2 [1, 2] : vector<1x32x16xf32> to vector<1xf32>
    %reduce_min3A_4 = vector.shape_cast %reduce_min3A_3 : vector<1xf32> to vector<1x1x1xf32>
    %reduce_min3A_5 = vector.extract %reduce_min3A_4[0, 0, 0] : f32 from vector<1x1x1xf32>
    %get3A_6 = arith.constant 0 : index
    %get3A_7 = arith.constant 0 : index
    %get3A_8 = vector.load %arg5[%get3A_6, %get3A_7] : memref<32x16xf32, #tpu.memory_space<vmem>>, vector<32x16xf32>
    %reduce_max3A = vector.shape_cast %get3A_8 : vector<32x16xf32> to vector<1x32x16xf32>
    %reduce_max3A_9 = arith.constant dense<0xFF800000> : vector<1xf32>
    %reduce_max3A_10 = vector.multi_reduction <maximumf>, %reduce_max3A, %reduce_max3A_9 [1, 2] : vector<1x32x16xf32> to vector<1xf32>
    %reduce_max3A_11 = vector.shape_cast %reduce_max3A_10 : vector<1xf32> to vector<1x1x1xf32>
    %reduce_max3A_12 = vector.extract %reduce_max3A_11[0, 0, 0] : f32 from vector<1x1x1xf32>
    %sub3A = arith.subf %reduce_max3A_12, %reduce_min3A_5 : f32
    %div3A = arith.constant 1.000000e+00 : f32
    %div3A_13 = arith.divf %div3A, %sub3A : f32
    %get3A_14 = arith.constant 0 : index
    %get3A_15 = arith.constant 0 : index
    %get3A_16 = vector.load %arg1[%get3A_14, %get3A_15] : memref<20x2048xi32, #tpu.memory_space<vmem>>, vector<20x2048xi32>
    %convert_element_type3A = arith.sitofp %get3A_16 : vector<20x2048xi32> to vector<20x2048xbf16>
    %iota3A = tpu.iota {dimensions = array<i32: 0>} : vector<440x20xi32>
    %jit3A = arith.constant 22 : i32
    %div3A_17 = vector.broadcast %jit3A : i32 to vector<440x20xi32>
    %div3A_18 = arith.divsi %iota3A, %div3A_17 : vector<440x20xi32>
    %sign3A = arith.constant 0 : i32
    %sign3A_19 = vector.broadcast %sign3A : i32 to vector<440x20xi32>
    %sign3A_20 = arith.cmpi sgt, %iota3A, %sign3A_19 : vector<440x20xi32>
    %sign3A_21 = arith.extui %sign3A_20 : vector<440x20xi1> to vector<440x20xi32>
    %sign3A_22 = arith.constant 0 : i32
    %sign3A_23 = vector.broadcast %sign3A_22 : i32 to vector<440x20xi32>
    %sign3A_24 = arith.cmpi slt, %iota3A, %sign3A_23 : vector<440x20xi32>
    %sign3A_25 = arith.extui %sign3A_24 : vector<440x20xi1> to vector<440x20xi32>
    %sign3A_26 = arith.subi %sign3A_21, %sign3A_25 : vector<440x20xi32>
    %sign3A_27 = arith.constant 0 : i32
    %sign3A_28 = arith.cmpi sgt, %jit3A, %sign3A_27 : i32
    %sign3A_29 = arith.extui %sign3A_28 : i1 to i32
    %sign3A_30 = arith.constant 0 : i32
    %sign3A_31 = arith.cmpi slt, %jit3A, %sign3A_30 : i32
    %sign3A_32 = arith.extui %sign3A_31 : i1 to i32
    %sign3A_33 = arith.subi %sign3A_29, %sign3A_32 : i32
    %ne3A = vector.broadcast %sign3A_33 : i32 to vector<440x20xi32>
    %ne3A_34 = arith.cmpi ne, %sign3A_26, %ne3A : vector<440x20xi32>
    %rem3A = vector.broadcast %jit3A : i32 to vector<440x20xi32>
    %rem3A_35 = arith.remsi %iota3A, %rem3A : vector<440x20xi32>
    %ne3A_36 = arith.constant 0 : i32
    %ne3A_37 = vector.broadcast %ne3A_36 : i32 to vector<440x20xi32>
    %ne3A_38 = arith.cmpi ne, %rem3A_35, %ne3A_37 : vector<440x20xi32>
    %and3A = arith.andi %ne3A_34, %ne3A_38 : vector<440x20xi1>
    %sub3A_39 = arith.constant 1 : i32
    %sub3A_40 = vector.broadcast %sub3A_39 : i32 to vector<440x20xi32>
    %sub3A_41 = arith.subi %div3A_18, %sub3A_40 : vector<440x20xi32>
    %select_n3A = arith.select %and3A, %sub3A_41, %div3A_18 : vector<440x20xi1>, vector<440x20xi32>
    %iota3A_42 = tpu.iota {dimensions = array<i32: 1>} : vector<440x20xi32>
    %eq3A = arith.cmpi eq, %select_n3A, %iota3A_42 : vector<440x20xi32>
    %convert_element_type3A_43 = arith.extui %eq3A : vector<440x20xi1> to vector<440x20xi32>
    %convert_element_type3A_44 = arith.sitofp %convert_element_type3A_43 : vector<440x20xi32> to vector<440x20xf32>
    %convert_element_type3A_45 = arith.truncf %convert_element_type3A_44 : vector<440x20xf32> to vector<440x20xbf16>
    %dot_general3A = arith.constant dense<0.000000e+00> : vector<440x2048xf32>
    %dot_general3A_46 = tpu.matmul %convert_element_type3A_45, %convert_element_type3A, %dot_general3A {dimension_numbers = #tpu.dot_dimension_numbers<[1], [0], [0], [1], [0, 0, 1, 1], [], []>, transpose_lhs_hint = false} : vector<440x20xbf16>, vector<20x2048xbf16>, vector<440x2048xf32> -> vector<440x2048xf32>
    %iota3A_47 = tpu.iota {dimensions = array<i32: 0>} : vector<440x2048xi32>
    %jit3A_48 = arith.constant 22 : i32
    %eq3A_49 = arith.constant 0 : i32
    %eq3A_50 = arith.cmpi eq, %jit3A_48, %eq3A_49 : i32
    %jit3A_51 = arith.constant 1 : i32
    %select_n3A_52 = arith.select %eq3A_50, %jit3A_51, %jit3A_48 : i32
    %rem3A_53 = vector.broadcast %select_n3A_52 : i32 to vector<440x2048xi32>
    %rem3A_54 = arith.remsi %iota3A_47, %rem3A_53 : vector<440x2048xi32>
    %ne3A_55 = arith.constant 0 : i32
    %ne3A_56 = vector.broadcast %ne3A_55 : i32 to vector<440x2048xi32>
    %ne3A_57 = arith.cmpi ne, %rem3A_54, %ne3A_56 : vector<440x2048xi32>
    %lt3A = arith.constant 0 : i32
    %lt3A_58 = vector.broadcast %lt3A : i32 to vector<440x2048xi32>
    %lt3A_59 = arith.cmpi slt, %rem3A_54, %lt3A_58 : vector<440x2048xi32>
    %lt3A_60 = arith.constant 0 : i32
    %lt3A_61 = arith.cmpi slt, %select_n3A_52, %lt3A_60 : i32
    %ne3A_62 = vector.broadcast %lt3A_61 : i1 to vector<440x2048xi1>
    %ne3A_63 = vector.broadcast %ne3A_62 : vector<440x2048xi1> to vector<440x2048xi1>
    %ne3A_64 = arith.xori %lt3A_59, %ne3A_63 : vector<440x2048xi1>
    %and3A_65 = arith.andi %ne3A_64, %ne3A_57 : vector<440x2048xi1>
    %add3A = vector.broadcast %select_n3A_52 : i32 to vector<440x2048xi32>
    %add3A_66 = arith.addi %rem3A_54, %add3A : vector<440x2048xi32>
    %select_n3A_67 = arith.select %and3A_65, %add3A_66, %rem3A_54 : vector<440x2048xi1>, vector<440x2048xi32>
    %convert_element_type3A_68 = arith.sitofp %select_n3A_67 : vector<440x2048xi32> to vector<440x2048xf32>
    %eq3A_69 = arith.cmpf oeq, %dot_general3A_46, %convert_element_type3A_68 : vector<440x2048xf32>
    %convert_element_type3A_70 = arith.extui %eq3A_69 : vector<440x2048xi1> to vector<440x2048xi32>
    %convert_element_type3A_71 = arith.sitofp %convert_element_type3A_70 : vector<440x2048xi32> to vector<440x2048xf32>
    %swap3A = arith.constant 0 : index
    %swap3A_72 = arith.constant 0 : index
    %swap3A_73 = vector.load %arg6[%swap3A, %swap3A_72] : memref<480x2048xf32, #tpu.memory_space<vmem>>, vector<440x2048xf32>
    tpu.vector_store %arg6[%swap3A, %swap3A_72], %convert_element_type3A_71 {strides = array<i32>} : memref<480x2048xf32, #tpu.memory_space<vmem>>, vector<440x2048xf32>,
    %get3A_74 = arith.constant 0 : index
    %get3A_75 = arith.constant 0 : index
    %get3A_76 = vector.load %arg2[%get3A_74, %get3A_75] : memref<24x2048xf32, #tpu.memory_space<vmem>>, vector<24x2048xf32>
    %slice3A = vector.extract_strided_slice %get3A_76 {offsets = [0, 0], sizes = [20, 2048], strides = [1, 1]} : vector<24x2048xf32> to vector<20x2048xf32>
    %sub3A_77 = vector.broadcast %reduce_min3A_5 : f32 to vector<20x2048xf32>
    %sub3A_78 = arith.subf %slice3A, %sub3A_77 : vector<20x2048xf32>
    %mul3A = vector.broadcast %div3A_13 : f32 to vector<20x2048xf32>
    %mul3A_79 = arith.mulf %sub3A_78, %mul3A : vector<20x2048xf32>
    %swap3A_80 = arith.constant 440 : index
    %swap3A_81 = arith.constant 0 : index
    %swap3A_82 = vector.load %arg6[%swap3A_80, %swap3A_81] : memref<480x2048xf32, #tpu.memory_space<vmem>>, vector<20x2048xf32>
    tpu.vector_store %arg6[%swap3A_80, %swap3A_81], %mul3A_79 {strides = array<i32>} : memref<480x2048xf32, #tpu.memory_space<vmem>>, vector<20x2048xf32>,
    %get3A_83 = arith.constant 0 : index
    %get3A_84 = arith.constant 0 : index
    %get3A_85 = vector.load %arg3[%get3A_83, %get3A_84] : memref<24x2048xf32, #tpu.memory_space<vmem>>, vector<24x2048xf32>
    %slice3A_86 = vector.extract_strided_slice %get3A_85 {offsets = [0, 0], sizes = [20, 2048], strides = [1, 1]} : vector<24x2048xf32> to vector<20x2048xf32>
    %swap3A_87 = arith.constant 460 : index
    %swap3A_88 = arith.constant 0 : index
    %swap3A_89 = vector.load %arg6[%swap3A_87, %swap3A_88] : memref<480x2048xf32, #tpu.memory_space<vmem>>, vector<20x2048xf32>
    tpu.vector_store %arg6[%swap3A_87, %swap3A_88], %slice3A_86 {strides = array<i32>} : memref<480x2048xf32, #tpu.memory_space<vmem>>, vector<20x2048xf32>,
    return
  }
  func.func @transform_0(%arg0: i32) -> (i32, i32) {
    %c0_i32 = arith.constant 0 : i32
    %c0_i32_0 = arith.constant 0 : i32
    return %c0_i32, %arg0 : i32, i32
  }
  func.func @transform_1(%arg0: i32) -> (i32, i32) {
    %c0_i32 = arith.constant 0 : i32
    %c0_i32_0 = arith.constant 0 : i32
    return %c0_i32, %arg0 : i32, i32
  }
  func.func @transform_2(%arg0: i32) -> (i32, i32) {
    %c0_i32 = arith.constant 0 : i32
    %c0_i32_0 = arith.constant 0 : i32
    return %c0_i32, %arg0 : i32, i32
  }
  func.func @transform_3(%arg0: i32) -> (i32, i32) {
    %c0_i32 = arith.constant 0 : i32
    %c0_i32_0 = arith.constant 0 : i32
    %c0_i32_1 = arith.constant 0 : i32
    return %c0_i32, %c0_i32_0 : i32, i32
  }
  func.func @transform_4(%arg0: i32) -> (i32, i32) {
    %c0_i32 = arith.constant 0 : i32
    %c0_i32_0 = arith.constant 0 : i32
    %c0_i32_1 = arith.constant 0 : i32
    return %c0_i32, %c0_i32_0 : i32, i32
  }
  func.func @transform_5(%arg0: i32) -> (i32, i32) {
    %c0_i32 = arith.constant 0 : i32
    %c0_i32_0 = arith.constant 0 : i32
    return %c0_i32, %arg0 : i32, i32
  }
}

</mosaic_0001>

<sc_bundles>
// kernel: kernel.11.cloned.1.call-start
scs
__scs_entry_jumppad:
0x0: {  	(pc) =	sbr.rel $0x88, $3  }
0x1: {  	(tag) =	ssettag $0x0;
	lr =	simm.s32 $0x1  }
0x2: {  	[smem:$0x3F9C] =	sst lr;
	_ =	strace $0xD0000000  }
0x3: {  	_ = 	snop  }
0x4: {  	_ = 	snop  }
0x5: {  	_ = 	snop  }
0x6: {  	_ = 	snop  }
0x7: {  	_ = 	snop  }
__scs_overlays_trampoline_lowered:
0x8: {  	[smem:$0x3FAB] =	sst s0  }
0x9: {  	[smem:$0x3FAC] =	sst s1  }
0xa: {  	[smem:$0x3FAD] =	sst s2  }
0xb: {  	[smem:$0x3FAE] =	sst s3  }
0xc: {  	[smem:$0x3FAF] =	sst s4  }
0xd: {  	[smem:$0x3FB0] =	sst s5  }
0xe: {  	[smem:$0x3FB1] =	sst s6  }
0xf: {  	[smem:$0x3FB2] =	sst s7  }
0x10: {  	[smem:$0x3FB3] =	sst s8  }
0x11: {  	[smem:$0x3FB4] =	sst s9;
	s0 =	simm.s32 @!p0 $0x0  }
0x12: {  	s1 =	sld [smem:$0x3F9A];
	s0 =	simm.s32 @p0 $0x1  }
0x13: {  	[smem:$0x3FB5] =	sst s0;
	s0 =	simm.s32 @!p1 $0x0  }
0x14: {  	s2 =	sld [smem:$0x3F99];
	s0 =	simm.s32 @p1 $0x1  }
0x15: {  	[smem:$0x3FB6] =	sst s0;
	s0 =	simm.s32 @!p2 $0x0  }
0x16: {  	s3 =	sld [smem:$0x3FDB];
	s0 =	simm.s32 @p2 $0x1  }
0x17: {  	s4 =	simm.s32 $0x1BF5;
	[smem:$0x3FB8] =	sst s0  }
0x18: {  	s0 =	sld [smem:$0x3F9B];
	_ =	swait.ge [sflag:s4], $0x0  }
0x19: {  	s7 =	sld [smem:$0x3F9C]  }
0x1a: {  	s8 =	sadd.s32 $0xFFFFE003, lr  }
0x1b: {  	s9 =	sadd.s32 $0xFFFFFEF7, lr;
	s5 =	simm.s32 $0xFFFFFFFF;
	p2 =	slt.u32 s8, $0xFFFFF086  }
0x1c: {  	p1 =	slt.u32 s9, $0xF7A;
	s5 =	simm.s32 @!p2 $0x0  }
0x1d: {  	s5 =	simm.s32 @p1 $0x1;
	p0 =	seq.s32 s7, s2  }
0x1e: {  	s7 =	smul.u32 @!p0 $0xF7A, s2;
	p2 =	seq.s32 @!p0 s5, $0x0  }
0x1f: {  	s9 =	smul.u32 $0xF7A, s1;
	s8 =	simm.s32 @!p0 $0x1BF5;
	p2 =	por !p2, p0  }
0x20: {  	[sflag:s8] =	ssyncset.s32 @!p0 $0xFFFFF086;
	s6 =	sadd.s32 @!p0 s3, s7;
	s7 =	simm.s32 @!p0 $0x108  }
0x21: {  	s3 =	sadd.s32 s3, s9;
	s6 =	sadd.s32 @!p0 $0x88, s6;
	s7 =	simm.s32 @p2 $0x1082  }
0x22: {  	[simem:s7], [sflag:s8] =	dma.local @!p0 [hbm:s6], $0xF7A  }
0x23: {  	s9 =	sor.u32 $0xD0000000, s2;
	s6 =	simm.s32 $0x108;
	_ =	swait.ge @!p0 [sflag:s8], $0x0  }
0x24: {  	s3 =	sadd.s32 $0x88, s3;
	s6 =	simm.s32 @!p1 $0x1082;
	[sflag:s4] =	ssyncset.s32 $0xFFFFF086  }
0x25: {  	[simem:s6], [sflag:s4] =	dma.local [hbm:s3], $0xF7A  }
0x26: {  	[smem:$0x3F9C] =	sst s1;
	(tag) =	ssettag s2;
	_ =	strace s9  }
0x27: {  	s1 =	sld [smem:$0x3FAC]  }
0x28: {  	s2 =	sld [smem:$0x3FAD]  }
0x29: {  	s4 =	sld [smem:$0x3FAF]  }
0x2a: {  	p0 =	seq.s32 s5, $0x0;
	s5 =	sld [smem:$0x3FB0]  }
0x2b: {  	s6 =	sld [smem:$0x3FB1]  }
0x2c: {  	s7 =	sld [smem:$0x3FB2]  }
0x2d: {  	s3 =	simm.s32 $0x108;
	s8 =	sld [smem:$0x3FB3]  }
0x2e: {  	s3 =	simm.s32 @!p0 $0x1082;
	s9 =	sld [smem:$0x3FB4]  }
0x2f: {  	lr =	sadd.s32 s0, s3;
	s0 =	sld [smem:$0x3FAB]  }
0x30: {  	s3 =	sld [smem:$0x3FAE]  }
0x31: {  	[smem:$0x3FB7] =	sst s10  }
0x32: {  	s10 =	sld [smem:$0x3FB5];
	_ =	sdelay $0x3  }
0x33: {  	p0 =	seq.s32 s10, $0x1;
	s10 =	sld [smem:$0x3FB7];
	_ =	sdelay $0x3  }
0x34: {  	[smem:$0x3FB7] =	sst s10  }
0x35: {  	s10 =	sld [smem:$0x3FB6];
	_ =	sdelay $0x3  }
0x36: {  	p1 =	seq.s32 s10, $0x1;
	s10 =	sld [smem:$0x3FB7];
	_ =	sdelay $0x3  }
0x37: {  	[smem:$0x3FB7] =	sst s10  }
0x38: {  	s10 =	sld [smem:$0x3FB8]  }
0x39: {  	_ = 	snop;
	(pc) =	sbr.ind lr, $3  }
0x3a: {  	_ = 	snop  }
0x3b: {  	_ = 	snop  }
0x3c: {  	p2 =	seq.s32 s10, $0x1;
	s10 =	sld [smem:$0x3FB7]  }
0x3d: {  	_ =	shalt  }
0x3e: {  	_ =	shalt  }
0x3f: {  	_ =	shalt  }
0x40: {  	_ =	shalt  }
0x41: {  	_ =	shalt  }
0x42: {  	_ =	shalt  }
0x43: {  	_ =	shalt  }
0x44: {  	_ =	shalt  }
0x45: {  	_ =	shalt  }
0x46: {  	_ =	shalt  }
0x47: {  	_ =	shalt  }
0x48: {  	_ =	shalt  }
0x49: {  	_ =	shalt  }
0x4a: {  	_ =	shalt  }
0x4b: {  	_ =	shalt  }
0x4c: {  	_ =	shalt  }
0x4d: {  	_ =	shalt  }
0x4e: {  	_ =	shalt  }
0x4f: {  	_ =	shalt  }
0x50: {  	_ =	shalt  }
0x51: {  	_ =	shalt  }
0x52: {  	_ =	shalt  }
0x53: {  	_ =	shalt  }
0x54: {  	_ =	shalt  }
0x55: {  	_ =	shalt  }
0x56: {  	_ =	shalt  }
0x57: {  	_ =	shalt  }
0x58: {  	_ =	shalt  }
0x59: {  	_ =	shalt  }
0x5a: {  	_ =	shalt  }
0x5b: {  	_ =	shalt  }
0x5c: {  	_ =	shalt  }
0x5d: {  	_ =	shalt  }
0x5e: {  	_ =	shalt  }
0x5f: {  	_ =	shalt  }
0x60: {  	_ =	shalt  }
0x61: {  	_ =	shalt  }
0x62: {  	_ =	shalt  }
0x63: {  	_ =	shalt  }
0x64: {  	_ =	shalt  }
0x65: {  	_ =	shalt  }
0x66: {  	_ =	shalt  }
0x67: {  	_ =	shalt  }
0x68: {  	_ =	shalt  }
0x69: {  	_ =	shalt  }
0x6a: {  	_ =	shalt  }
0x6b: {  	_ =	shalt  }
0x6c: {  	_ =	shalt  }
0x6d: {  	_ =	shalt  }
0x6e: {  	_ =	shalt  }
0x6f: {  	_ =	shalt  }
0x70: {  	_ =	shalt  }
0x71: {  	_ =	shalt  }
0x72: {  	_ =	shalt  }
0x73: {  	_ =	shalt  }
0x74: {  	_ =	shalt  }
0x75: {  	_ =	shalt  }
0x76: {  	_ =	shalt  }
0x77: {  	_ =	shalt  }
0x78: {  	_ =	shalt  }
0x79: {  	_ =	shalt  }
0x7a: {  	_ =	shalt  }
0x7b: {  	_ =	shalt  }
0x7c: {  	_ =	shalt  }
0x7d: {  	_ =	shalt  }
0x7e: {  	_ =	shalt  }
0x7f: {  	_ =	shalt  }
0x80: {  	_ =	shalt  }
0x81: {  	_ =	shalt  }
0x82: {  	_ =	shalt  }
0x83: {  	_ =	shalt  }
0x84: {  	_ =	shalt  }
0x85: {  	_ =	shalt  }
0x86: {  	_ =	shalt  }
0x87: {  	_ =	shalt  }
.Lfunc_end0:
.L_simem_size_0:
called_computation.1_lowered:
.L_overlay_start_0:
0x88: {  	s2 =	sld [smem:$0x3FD9]  }
0x89: {  	s3 =	sld [smem:$0x3FFE];
	_ =	sdelay $0x1  }
0x8a: {  	s1 =	srdreg.scid  }
0x8b: {  	s0 =	sand.u32 $0x1, s1  }
0x8c: {  	s17 =	sshll.u32 s0, $0xA;
	s2 =	sadd.s32 s3, s2  }
0x8d: {  	s2 =	sadd.s32 s2, s17  }
0x8e: {  	[smem:$0x3FC3] =	sst s2  }
0x8f: {  	_ = 	snop  }
0x90: {  	s18 =	sld [smem:$0x3FD0];
	(tm) =	ssettm $0x1  }
0x91: {  	s19 =	sld [smem:$0x3FFB];
	_ =	sdelay $0x3  }
0x92: {  	_ =	strace s19  }
0x93: {  	s2 =	sld [smem:$0x3FFC];
	_ =	sdelay $0x3  }
0x94: {  	_ =	strace s2  }
0x95: {  	s2 =	sld [smem:$0x3FFD];
	_ =	sdelay $0x3  }
0x96: {  	_ =	strace s2  }
0x97: {  	_ =	strace $0x8FFFFFFF  }
0x98: {  	s20 =	sld [smem:$0x3FDB];
	_ =	sdelay $0x1  }
0x99: {  	s4 =	simm.s32 $_scs_section_size  }
0x9a: {  	s5 =	simm.s32 $_size__tile_overlayer_lowered;
	s6 =	simm.s32 $_tile_overlayer_lowered  }
0x9b: {  	s7 =	simm.s32 $0x1BFF;
	s21 =	sshll.u32 s6, $0x1;
	s4 =	sadd.s32 s4, s20  }
0x9c: {  	s22 =	simm.s32 $0x0;
	s5 =	sshll.u32 s5, $0x1;
	s6 =	sadd.s32 s21, s4  }
0x9d: {  	[timem:s22], [sflag:s7] =	dma.local [hbm:s6], s5  }
0x9e: {  	_ =	swait.ge [sflag:s7], s5  }
0x9f: {  	s5 =	ssub.s32 $0x0, s5;
	[sflag:s7] =	ssyncset.done $0x0  }
0xa0: {  	[sflag:s7] =	ssyncadd.s32 s5;
	_ =	sdelay $0x1  }
0xa1: {  	s23 =	simm.s32 $0x1B8B  }
0xa2: {  	_ =	swait.ge [sflag:s23], $0x1  }
0xa3: {  	[sflag:s23] =	ssyncset.done $0x0  }
0xa4: {  	[sflag:s23] =	ssyncadd.s32 $0xFFFFFFFF  }
0xa5: {  	s5 =	sld [smem:$0x0]  }
0xa6: {  	s6 =	sand.u32 $0xFFFFFFFE, s1  }
0xa7: {  	p0 =	sne.s32 s1, s6  }
0xa8: {  	s6 =	sshll.u32 @p0 s6, $0xE  }
0xa9: {  	s6 =	sadd.s32 @p0 $0x11B8D, s6;
	s7 =	sshll.u32 @p0 s5, $0x11  }
0xaa: {  	s6 =	sor.u32 @p0 s7, s6  }
0xab: {  	[sflag:s6] =	ssyncadd.remote.s32 @p0 $0x1;
	_ =	sdelay $0x1  }
0xac: {  	s6 =	simm.s32 @p0 $0x1B8D  }
0xad: {  	_ =	swait.eq @p0 [sflag:s6], $0x1  }
0xae: {  	[sflag:s6] =	ssyncadd.s32 @p0 $0xFFFFFFFF  }
0xaf: {  	s7 =	sshll.u32 @!p0 s1, $0xE  }
0xb0: {  	s7 =	sor.u32 @!p0 $0x4000, s7;
	s6 =	simm.s32 @!p0 $0x1B8D  }
0xb1: {  	s5 =	sshll.u32 @!p0 s5, $0x11;
	s7 =	sadd.s32 @!p0 $0x11B8D, s7;
	_ =	swait.eq @!p0 [sflag:s6], $0x1  }
0xb2: {  	s5 =	sor.u32 @!p0 s5, s7;
	[sflag:s6] =	ssyncadd.s32 @!p0 $0xFFFFFFFF  }
0xb3: {  	s25 =	simm.s32 $0x1B8E;
	s24 =	sld [smem:$0x3FFE];
	[sflag:s5] =	ssyncadd.remote.s32 @!p0 $0x1  }
0xb4: {  	s26 =	simm.s32 $execute0_lowered;
	[smem:$0x3FD2] =	sst s25  }
0xb5: {  	s6 =	sshll.u32 s26, $0x1;
	_ =	strace $0x80000049;
	[dreg:$0x1] =	wrdreg $0xFFFFFFFF  }
0xb6: {  	s28 =	simm.s32 $_size_execute0_lowered;
	s4 =	sadd.s32 s4, s6;
	[dreg:$0x0] =	wrdreg $0x0  }
0xb7: {  	s6 =	sshll.u32 s28, $0x1;
	[dreg:$0x2] =	wrdreg s4  }
0xb8: {  	[dreg:$0x3] =	wrdreg s6  }
0xb9: {  	[dreg:$0x4] =	wrdreg $0xC0  }
0xba: {  	_ =	task [dreg:s22], $0x5FFFF  }
0xbb: {  	[dreg:$0x1] =	wrdreg $0xFFFFFFFF  }
0xbc: {  	[dreg:$0x0] =	wrdreg $0x60  }
0xbd: {  	[dreg:$0x2] =	wrdreg s24  }
0xbe: {  	[dreg:$0x3] =	wrdreg s18  }
0xbf: {  	[dreg:$0x4] =	wrdreg $0xA  }
0xc0: {  	_ =	task.clear_ibuf [dreg:s22], $0x5FFFF;
	_ =	strace $0x90000049  }
0xc1: {  	s29 =	simm.s32 $0xA;
	_ =	strace $0x8000004B  }
0xc2: {  	_ =	swait.ge [sflag:s29], $0x1  }
0xc3: {  	[sflag:s29] =	ssyncadd.s32 $0xFFFFFFFF  }
0xc4: {  	_ =	strace $0x9000004B  }
0xc5: {  	_ =	sfence  }
0xc6: {  	s30 =	sld [smem:$0x0];
	_ =	sdelay $0x2  }
0xc7: {  	s31 =	sshll.u32 s1, $0xD;
	s1 =	sshrl.u32 s1, $0x2  }
0xc8: {  	s4 =	sand.u32 $0x4000, s31;
	s1 =	sadd.s32 s1, s30  }
0xc9: {  	s0 =	sor.u32 s4, s0;
	s1 =	sshll.u32 s1, $0x11  }
0xca: {  	s0 =	sor.u32 s1, s0  }
0xcb: {  	s0 =	sadd.s32 $0x8F2B, s0  }
0xcc: {  	[sflag:s0] =	ssyncadd.remote.s32 $0x1  }
0xcd: {  	_ =	sfence.sel $0xFFFF  }
0xce: {  	[dreg:$0x0] =	wrdreg $0xFFFFFFFF;
	(pc) =	sbr.abs _section_cstart, $3  }
0xcf: {  	[dreg:$0x1] =	wrdreg $0xFFFFFFFF  }
0xd0: {  	_ =	task.clear_ibuf [dreg:s22], $0x2FFFF;
	_ =	strace $0x9FFFFFFF  }
0xd1: {  	(tm) =	ssettm $0x7FFFFFFF  }
tec
execute0_lowered:
.L_overlay_start_1:
0x0: {  	(tag) =	ssettag $0x1  }
0x1: {  	s1 =	srdreg.scid;
	s4 =	rddreg [dreg:$0x0]  }
0x2: {  	s0 =	stileid.u32;
	s11 =	rddreg [dreg:$0x1]  }
0x3: {  	s2 =	simm.s32 $0x0;
	s16 =	simm.s32 $0x4080;
	s17 =	simm.s32 $0x1  }
0x4: {  	s18 =	simm.s32 $0x8080;
	s3 =	sand.u32 $0x1, s1;
	s1 =	rddreg [dreg:$0x2]  }
0x5: {  	s19 =	simm.s32 $0x0;
	s5 =	sshll.u32 s0, $0xA;
	[smem:$0x7FF] =	sst s2  }
0x6: {  	s10 =	sadd.s32 $0x18B200, s4;
	s6 =	sshll.u32 s3, $0x9;
	s24 =	ssub.s32 $0x2, s3  }
0x7: {  	_ =	strace $0x8000004A;
	s8 =	sor.u32 s6, s5;
	s7 =	sshrl.u32 s24, $0x1  }
0x8: {  	s3 =	sadd.s32 $0x197E00, s4;
	s5 =	smul.u32 $0x3, s8;
	s13 =	ssub.s32 s24, s7  }
0x9: {  	s25 =	sshrl.u32 s8, $0x3;
	s26 =	sshll.u32 s8, $0x4;
	s28 =	sor.u32 $0x80, s8  }
0xa: {  	s9 =	sor.u32 $0x100, s8;
	s15 =	sor.u32 $0x180, s8;
	s29 =	sshrl.u32 s28, $0x3  }
0xb: {  	s7 =	sshll.u32 s28, $0x4;
	s14 =	sshrl.u32 s9, $0x3;
	s9 =	sshll.u32 s9, $0x4  }
0xc: {  	s30 =	sshrl.u32 s15, $0x3;
	s31 =	sshll.u32 s15, $0x4;
	s13 =	smax.u32 s13, $0x1  }
0xd: {  	s15 =	simm.s32 $0x80;
	s12 =	sadd.s32 s5, s4;
	s4 =	sadd.s32 s10, s25  }
0xe: {  	s5 =	sadd.s32 s11, s26;
	s6 =	sadd.s32 s10, s29;
	s7 =	sadd.s32 s11, s7  }
0xf: {  	s8 =	sadd.s32 s10, s14;
	s9 =	sadd.s32 s11, s9;
	s10 =	sadd.s32 s10, s30  }
0x10: {  	v0 =	vlaneseq.u32;
	s11 =	sadd.s32 s11, s31;
	s14 =	simm.s32 $0x2;
	s12 =	sadd.s32 $0x31FE00, s12  }
.LBB2_1:
0x11: {  	v2 =	vor.u32 s2, v0  }
0x12: {  	v1 =	vshrl.u32 v2, $0x2  }
0x13: {  	[tilespmem:s2], [sflag:$0x2] =	stream.linear.gather [hbm4b:s4+s2], $0x80, $0x38;
	v1 =	vmul.u32 $0x3334, v1;
	[tilespmem:$0xB080] =	vst v63  }
0x14: {  	_ =	swait.ge [sflag:s14], $0x80  }
0x15: {  	[sflag:s14] =	ssyncset.done $0x0;
	v1 =	vshrl.u32 v1, $0x10  }
0x16: {  	[sflag:s14] =	ssyncadd.s32 $0xFFFFFF80;
	v3 =	vmul.u32 $0xFFFFFFEC, v1  }
0x17: {  	[tilespmem:s15], [sflag:$0x1] =	stream.indirect.gather [hbm4b:s3+s15], $0x80, s2, s15, $0xb8;
	[tilespmem:$0xB080] =	vst v63  }
0x18: {  	v3 =	vadd.s32 v2, v3  }
0x19: {  	v5 =	vshll.u32 v1, $0x7;
	[tilespmem:s16], [sflag:$0x1] =	stream.linear.gather [hbm4b:s5+s2], $0x4000, $0x38;
	v2 =	vand.u32 $0xFFFFFFF8, v3;
	[tilespmem:$0xB080] =	vst v63  }
0x1a: {  	_ =	swait.ge [sflag:s17], $0x4000;
	v3 =	vand.u32 $0x7, v3;
	v4 =	vadd.s32 v5, v2  }
0x1b: {  	[sflag:s17] =	ssyncset.done $0x0;
	v4 =	vor.u32 v3, v4  }
0x1c: {  	[sflag:s17] =	ssyncadd.s32 $0xFFFFC000  }
0x1d: {  	_ =	swait.ge [sflag:s17], $0x4000  }
0x1e: {  	[sflag:s17] =	ssyncset.done $0x0  }
0x1f: {  	[sflag:s17] =	ssyncadd.s32 $0xFFFFC000  }
0x20: {  	v4 =	vld.idx.msk [tilespmem:v4+s16+$0x0], $0xffff;
	_ =	sdelay $0x3  }
0x21: {  	s20 =	simm.s32 $0x10  }
0x22: {  	v6 =	vor.u32 s20, v0;
	s20 =	simm.s32 $0x20;
	v7 =	vand.u32 $0xFFFFFFF8, v4  }
.LBB2_2:
0x23: {  	p0 =	sne.s32 s20, $0x9F0;
	v8 =	vshrl.u32 v6, $0x2;
	v9 =	vand.u32 $0x7, v4;
	v5 =	vadd.s32 v5, v7  }
0x24: {  	v7 =	vmul.u32 $0x3334, v8;
	v5 =	vor.u32 v9, v5;
	_ =	sdelay $0x1  }
0x25: {  	v7 =	vshrl.u32 v7, $0x10  }
0x26: {  	v8 =	vmul.u32 $0xFFFFFFEC, v7  }
0x27: {  	v9 =	vmul.u32 $0x18, v1;
	v1 =	vmov v7  }
0x28: {  	v6 =	vadd.s32 v6, v8;
	v7 =	vld.idx.msk [tilespmem:v5+s15+$0x0], $0xffff  }
0x29: {  	v5 =	vshll.u32 v1, $0x7;
	v8 =	vadd.s32 v9, v2;
	v2 =	vand.u32 $0xFFFFFFF8, v6  }
0x2a: {  	v8 =	vor.u32 v3, v8;
	v3 =	vand.u32 $0x7, v6;
	v9 =	vadd.s32 v5, v2  }
0x2b: {  	v6 =	vor.u32 v3, v9;
	_ =	sdelay $0x1  }
0x2c: {  	vm0 =	vgt.s32 v4, $0x31  }
0x2d: {  	v4 =	vsel vm0, $0x0, v7  }
0x2e: {  	[tilespmem:v8+s18+$0x0] =	vst.idx.msk $0xffff, v4  }
0x2f: {  	v4 =	vld.idx.msk [tilespmem:v6+s16+$0x0], $0xffff;
	_ =	sdelay $0x1  }
.Ltmp0:
0x30: {  	(pc) =	sbr.rel @p0 .LBB2_2-.Ltmp0, $2  }
0x31: {  	_ =	sdelay $0x2  }
0x32: {  	v6 =	vor.u32 s20, v0;
	s20 =	sadd.s32 $0x10, s20;
	v7 =	vand.u32 $0xFFFFFFF8, v4  }
0x33: {  	v8 =	vshrl.u32 v6, $0x2  }
0x34: {  	v9 =	vand.u32 $0x7, v4;
	v5 =	vadd.s32 v5, v7;
	v7 =	vmul.u32 $0x3334, v8  }
0x35: {  	v5 =	vor.u32 v9, v5  }
0x36: {  	v7 =	vshrl.u32 v7, $0x10  }
0x37: {  	v8 =	vmul.u32 $0xFFFFFFEC, v7  }
0x38: {  	v1 =	vmul.u32 $0x18, v1  }
0x39: {  	v6 =	vadd.s32 v6, v8  }
0x3a: {  	v1 =	vadd.s32 v1, v2;
	v63 =	vshll.u32 v7, $0x7;
	v5 =	vld.idx.msk [tilespmem:v5+s15+$0x0], $0xffff;
	v8 =	vand.u32 $0xFFFFFFF8, v6  }
0x3b: {  	v1 =	vor.u32 v3, v1;
	v2 =	vand.u32 $0x7, v6;
	v6 =	vadd.s32 v63, v8  }
0x3c: {  	v3 =	vor.u32 v2, v6;
	_ =	sdelay $0x1  }
0x3d: {  	vm0 =	vgt.s32 v4, $0x31  }
0x3e: {  	v4 =	vsel vm0, $0x0, v5  }
0x3f: {  	[tilespmem:v1+s18+$0x0] =	vst.idx.msk $0xffff, v4  }
0x40: {  	v1 =	vld.idx.msk [tilespmem:v3+s16+$0x0], $0xffff;
	_ =	sdelay $0x4  }
0x41: {  	v3 =	vand.u32 $0xFFFFFFF8, v1  }
0x42: {  	v4 =	vand.u32 $0x7, v1;
	v3 =	vadd.s32 v63, v3  }
0x43: {  	v3 =	vor.u32 v4, v3;
	_ =	sdelay $0x2  }
0x44: {  	v4 =	vmul.u32 $0x18, v7;
	_ =	sdelay $0x1  }
0x45: {  	v4 =	vadd.s32 v4, v8;
	v3 =	vld.idx.msk [tilespmem:v3+s15+$0x0], $0xffff  }
0x46: {  	v2 =	vor.u32 v2, v4;
	_ =	sdelay $0x2  }
0x47: {  	s20 =	simm.s32 $0x0;
	vm15 =	vgt.s32 v1, $0x31  }
0x48: {  	v1 =	vsel vm15, $0x0, v3;
	v3 =	vor.u32 s20, v0  }
0x49: {  	[tilespmem:v2+s18+$0x0] =	vst.idx.msk $0xffff, v1;
	v1 =	vshrl.u32 v3, $0x2  }
0x4a: {  	[tilespmem:s20], [sflag:$0x2] =	stream.linear.gather [hbm4b:s6+s20], $0x80, $0x38;
	v1 =	vmul.u32 $0x3334, v1;
	[tilespmem:$0xB080] =	vst v63  }
0x4b: {  	_ =	swait.ge [sflag:s14], $0x80  }
0x4c: {  	[sflag:s14] =	ssyncset.done $0x0;
	v1 =	vshrl.u32 v1, $0x10  }
0x4d: {  	[sflag:s14] =	ssyncadd.s32 $0xFFFFFF80;
	v2 =	vmul.u32 $0xFFFFFFEC, v1  }
0x4e: {  	[tilespmem:s15], [sflag:$0x1] =	stream.indirect.gather [hbm4b:s3+s15], $0x80, s20, s15, $0xb8;
	[tilespmem:$0xB080] =	vst v63  }
0x4f: {  	v2 =	vadd.s32 v3, v2  }
0x50: {  	v5 =	vshll.u32 v1, $0x7;
	[tilespmem:s16], [sflag:$0x1] =	stream.linear.gather [hbm4b:s7+s20], $0x4000, $0x38;
	v3 =	vand.u32 $0xFFFFFFF8, v2;
	[tilespmem:$0xB080] =	vst v63  }
0x51: {  	v2 =	vand.u32 $0x7, v2;
	_ =	swait.ge [sflag:s17], $0x4000;
	v4 =	vadd.s32 v5, v3  }
0x52: {  	[sflag:s17] =	ssyncset.done $0x0;
	v4 =	vor.u32 v2, v4  }
0x53: {  	[sflag:s17] =	ssyncadd.s32 $0xFFFFC000  }
0x54: {  	_ =	swait.ge [sflag:s17], $0x4000  }
0x55: {  	[sflag:s17] =	ssyncset.done $0x0  }
0x56: {  	[sflag:s17] =	ssyncadd.s32 $0xFFFFC000  }
0x57: {  	v4 =	vld.idx.msk [tilespmem:v4+s16+$0x0], $0xffff;
	_ =	sdelay $0x3  }
0x58: {  	s31 =	simm.s32 $0x10  }
0x59: {  	v6 =	vor.u32 s31, v0;
	s20 =	simm.s32 $0x20;
	v7 =	vand.u32 $0xFFFFFFF8, v4  }
.LBB2_4:
0x5a: {  	p0 =	sne.s32 s20, $0x9F0;
	v8 =	vshrl.u32 v6, $0x2;
	v9 =	vand.u32 $0x7, v4;
	v5 =	vadd.s32 v5, v7  }
0x5b: {  	v7 =	vmul.u32 $0x3334, v8;
	v5 =	vor.u32 v9, v5;
	_ =	sdelay $0x1  }
0x5c: {  	v7 =	vshrl.u32 v7, $0x10  }
0x5d: {  	v9 =	vmul.u32 $0x18, v1;
	v8 =	vmul.u32 $0xFFFFFFEC, v7;
	v1 =	vmov v7;
	_ =	sdelay $0x1  }
0x5e: {  	v6 =	vadd.s32 v6, v8;
	v7 =	vld.idx.msk [tilespmem:v5+s15+$0x0], $0xffff;
	v8 =	vadd.s32 v3, v9  }
0x5f: {  	v5 =	vshll.u32 v1, $0x7;
	v3 =	vand.u32 $0xFFFFFFF8, v6;
	v8 =	vor.u32 v2, v8  }
0x60: {  	v2 =	vand.u32 $0x7, v6;
	v6 =	vadd.s32 v5, v3;
	v8 =	vadd.s32 $0xC00, v8  }
0x61: {  	v6 =	vor.u32 v2, v6;
	_ =	sdelay $0x1  }
0x62: {  	vm0 =	vgt.s32 v4, $0x31  }
0x63: {  	v4 =	vsel vm0, $0x0, v7  }
0x64: {  	[tilespmem:v8+s18+$0x0] =	vst.idx.msk $0xffff, v4  }
0x65: {  	v4 =	vld.idx.msk [tilespmem:v6+s16+$0x0], $0xffff;
	_ =	sdelay $0x1  }
.Ltmp1:
0x66: {  	(pc) =	sbr.rel @p0 .LBB2_4-.Ltmp1, $2  }
0x67: {  	_ =	sdelay $0x2  }
0x68: {  	v6 =	vor.u32 s20, v0;
	s20 =	sadd.s32 $0x10, s20;
	v7 =	vand.u32 $0xFFFFFFF8, v4  }
0x69: {  	v8 =	vshrl.u32 v6, $0x2  }
0x6a: {  	v9 =	vand.u32 $0x7, v4;
	v5 =	vadd.s32 v5, v7;
	v7 =	vmul.u32 $0x3334, v8  }
0x6b: {  	v5 =	vor.u32 v9, v5  }
0x6c: {  	v7 =	vshrl.u32 v7, $0x10  }
0x6d: {  	v1 =	vmul.u32 $0x18, v1;
	v8 =	vmul.u32 $0xFFFFFFEC, v7;
	_ =	sdelay $0x1  }
0x6e: {  	v1 =	vadd.s32 v3, v1;
	v6 =	vadd.s32 v6, v8  }
0x6f: {  	v1 =	vor.u32 v2, v1;
	v3 =	vld.idx.msk [tilespmem:v5+s15+$0x0], $0xffff;
	v8 =	vshll.u32 v7, $0x7;
	v5 =	vand.u32 $0xFFFFFFF8, v6  }
0x70: {  	v1 =	vadd.s32 $0xC00, v1;
	v2 =	vand.u32 $0x7, v6;
	v6 =	vadd.s32 v8, v5  }
0x71: {  	v6 =	vor.u32 v2, v6;
	_ =	sdelay $0x1  }
0x72: {  	vm0 =	vgt.s32 v4, $0x31  }
0x73: {  	v3 =	vsel vm0, $0x0, v3  }
0x74: {  	[tilespmem:v1+s18+$0x0] =	vst.idx.msk $0xffff, v3  }
0x75: {  	v1 =	vld.idx.msk [tilespmem:v6+s16+$0x0], $0xffff;
	_ =	sdelay $0x4  }
0x76: {  	v3 =	vand.u32 $0xFFFFFFF8, v1  }
0x77: {  	v4 =	vand.u32 $0x7, v1;
	v3 =	vadd.s32 v8, v3  }
0x78: {  	v3 =	vor.u32 v4, v3;
	_ =	sdelay $0x1  }
0x79: {  	v4 =	vmul.u32 $0x18, v7;
	_ =	sdelay $0x1  }
0x7a: {  	v4 =	vadd.s32 v5, v4  }
0x7b: {  	v2 =	vor.u32 v2, v4;
	v3 =	vld.idx.msk [tilespmem:v3+s15+$0x0], $0xffff  }
0x7c: {  	v2 =	vadd.s32 $0xC00, v2;
	_ =	sdelay $0x2  }
0x7d: {  	s20 =	simm.s32 $0x0;
	vm15 =	vgt.s32 v1, $0x31  }
0x7e: {  	v1 =	vsel vm15, $0x0, v3;
	v3 =	vor.u32 s20, v0  }
0x7f: {  	[tilespmem:v2+s18+$0x0] =	vst.idx.msk $0xffff, v1;
	v1 =	vshrl.u32 v3, $0x2  }
0x80: {  	[tilespmem:s20], [sflag:$0x2] =	stream.linear.gather [hbm4b:s8+s20], $0x80, $0x38;
	v1 =	vmul.u32 $0x3334, v1;
	[tilespmem:$0xB080] =	vst v63  }
0x81: {  	_ =	swait.ge [sflag:s14], $0x80  }
0x82: {  	[sflag:s14] =	ssyncset.done $0x0;
	v1 =	vshrl.u32 v1, $0x10  }
0x83: {  	[sflag:s14] =	ssyncadd.s32 $0xFFFFFF80;
	v2 =	vmul.u32 $0xFFFFFFEC, v1  }
0x84: {  	[tilespmem:s15], [sflag:$0x1] =	stream.indirect.gather [hbm4b:s3+s15], $0x80, s20, s15, $0xb8;
	[tilespmem:$0xB080] =	vst v63  }
0x85: {  	v2 =	vadd.s32 v3, v2  }
0x86: {  	v5 =	vshll.u32 v1, $0x7;
	[tilespmem:s16], [sflag:$0x1] =	stream.linear.gather [hbm4b:s9+s20], $0x4000, $0x38;
	v3 =	vand.u32 $0xFFFFFFF8, v2;
	[tilespmem:$0xB080] =	vst v63  }
0x87: {  	v2 =	vand.u32 $0x7, v2;
	_ =	swait.ge [sflag:s17], $0x4000;
	v4 =	vadd.s32 v5, v3  }
0x88: {  	[sflag:s17] =	ssyncset.done $0x0;
	v4 =	vor.u32 v2, v4  }
0x89: {  	[sflag:s17] =	ssyncadd.s32 $0xFFFFC000  }
0x8a: {  	_ =	swait.ge [sflag:s17], $0x4000  }
0x8b: {  	[sflag:s17] =	ssyncset.done $0x0  }
0x8c: {  	[sflag:s17] =	ssyncadd.s32 $0xFFFFC000  }
0x8d: {  	v4 =	vld.idx.msk [tilespmem:v4+s16+$0x0], $0xffff;
	_ =	sdelay $0x3  }
0x8e: {  	s31 =	simm.s32 $0x10  }
0x8f: {  	v6 =	vor.u32 s31, v0;
	s20 =	simm.s32 $0x20;
	v7 =	vand.u32 $0xFFFFFFF8, v4  }
.LBB2_6:
0x90: {  	p0 =	sne.s32 s20, $0x9F0;
	v8 =	vshrl.u32 v6, $0x2;
	v9 =	vand.u32 $0x7, v4;
	v5 =	vadd.s32 v5, v7  }
0x91: {  	v7 =	vmul.u32 $0x3334, v8;
	v5 =	vor.u32 v9, v5;
	_ =	sdelay $0x1  }
0x92: {  	v7 =	vshrl.u32 v7, $0x10  }
0x93: {  	v9 =	vmul.u32 $0x18, v1;
	v8 =	vmul.u32 $0xFFFFFFEC, v7;
	v1 =	vmov v7;
	_ =	sdelay $0x1  }
0x94: {  	v6 =	vadd.s32 v6, v8;
	v7 =	vld.idx.msk [tilespmem:v5+s15+$0x0], $0xffff;
	v8 =	vadd.s32 v3, v9  }
0x95: {  	v5 =	vshll.u32 v1, $0x7;
	v3 =	vand.u32 $0xFFFFFFF8, v6;
	v8 =	vor.u32 v2, v8  }
0x96: {  	v2 =	vand.u32 $0x7, v6;
	v6 =	vadd.s32 v5, v3;
	v8 =	vadd.s32 $0x1800, v8  }
0x97: {  	v6 =	vor.u32 v2, v6;
	_ =	sdelay $0x1  }
0x98: {  	vm0 =	vgt.s32 v4, $0x31  }
0x99: {  	v4 =	vsel vm0, $0x0, v7  }
0x9a: {  	[tilespmem:v8+s18+$0x0] =	vst.idx.msk $0xffff, v4  }
0x9b: {  	v4 =	vld.idx.msk [tilespmem:v6+s16+$0x0], $0xffff;
	_ =	sdelay $0x1  }
.Ltmp2:
0x9c: {  	(pc) =	sbr.rel @p0 .LBB2_6-.Ltmp2, $2  }
0x9d: {  	_ =	sdelay $0x2  }
0x9e: {  	v6 =	vor.u32 s20, v0;
	s20 =	sadd.s32 $0x10, s20;
	v7 =	vand.u32 $0xFFFFFFF8, v4  }
0x9f: {  	v8 =	vshrl.u32 v6, $0x2  }
0xa0: {  	v9 =	vand.u32 $0x7, v4;
	v5 =	vadd.s32 v5, v7;
	v7 =	vmul.u32 $0x3334, v8  }
0xa1: {  	v5 =	vor.u32 v9, v5  }
0xa2: {  	v7 =	vshrl.u32 v7, $0x10  }
0xa3: {  	v1 =	vmul.u32 $0x18, v1;
	v8 =	vmul.u32 $0xFFFFFFEC, v7;
	_ =	sdelay $0x1  }
0xa4: {  	v1 =	vadd.s32 v3, v1;
	v6 =	vadd.s32 v6, v8  }
0xa5: {  	v1 =	vor.u32 v2, v1;
	v3 =	vld.idx.msk [tilespmem:v5+s15+$0x0], $0xffff;
	v8 =	vshll.u32 v7, $0x7;
	v5 =	vand.u32 $0xFFFFFFF8, v6  }
0xa6: {  	v1 =	vadd.s32 $0x1800, v1;
	v2 =	vand.u32 $0x7, v6;
	v6 =	vadd.s32 v8, v5  }
0xa7: {  	v6 =	vor.u32 v2, v6;
	_ =	sdelay $0x1  }
0xa8: {  	vm0 =	vgt.s32 v4, $0x31  }
0xa9: {  	v3 =	vsel vm0, $0x0, v3  }
0xaa: {  	[tilespmem:v1+s18+$0x0] =	vst.idx.msk $0xffff, v3  }
0xab: {  	v1 =	vld.idx.msk [tilespmem:v6+s16+$0x0], $0xffff;
	_ =	sdelay $0x4  }
0xac: {  	v3 =	vand.u32 $0xFFFFFFF8, v1  }
0xad: {  	v4 =	vand.u32 $0x7, v1;
	v3 =	vadd.s32 v8, v3  }
0xae: {  	v3 =	vor.u32 v4, v3;
	_ =	sdelay $0x1  }
0xaf: {  	v4 =	vmul.u32 $0x18, v7;
	_ =	sdelay $0x1  }
0xb0: {  	v4 =	vadd.s32 v5, v4  }
0xb1: {  	v2 =	vor.u32 v2, v4;
	v3 =	vld.idx.msk [tilespmem:v3+s15+$0x0], $0xffff  }
0xb2: {  	v2 =	vadd.s32 $0x1800, v2;
	_ =	sdelay $0x2  }
0xb3: {  	s20 =	simm.s32 $0x0;
	vm15 =	vgt.s32 v1, $0x31  }
0xb4: {  	v1 =	vsel vm15, $0x0, v3;
	v3 =	vor.u32 s20, v0  }
0xb5: {  	[tilespmem:v2+s18+$0x0] =	vst.idx.msk $0xffff, v1;
	v1 =	vshrl.u32 v3, $0x2  }
0xb6: {  	[tilespmem:s20], [sflag:$0x2] =	stream.linear.gather [hbm4b:s10+s20], $0x80, $0x38;
	v1 =	vmul.u32 $0x3334, v1;
	[tilespmem:$0xB080] =	vst v63  }
0xb7: {  	_ =	swait.ge [sflag:s14], $0x80  }
0xb8: {  	[sflag:s14] =	ssyncset.done $0x0;
	v1 =	vshrl.u32 v1, $0x10  }
0xb9: {  	[sflag:s14] =	ssyncadd.s32 $0xFFFFFF80;
	v2 =	vmul.u32 $0xFFFFFFEC, v1  }
0xba: {  	[tilespmem:s15], [sflag:$0x1] =	stream.indirect.gather [hbm4b:s3+s15], $0x80, s20, s15, $0xb8;
	[tilespmem:$0xB080] =	vst v63  }
0xbb: {  	v2 =	vadd.s32 v3, v2  }
0xbc: {  	v5 =	vshll.u32 v1, $0x7;
	[tilespmem:s16], [sflag:$0x1] =	stream.linear.gather [hbm4b:s11+s20], $0x4000, $0x38;
	v3 =	vand.u32 $0xFFFFFFF8, v2;
	[tilespmem:$0xB080] =	vst v63  }
0xbd: {  	v2 =	vand.u32 $0x7, v2;
	_ =	swait.ge [sflag:s17], $0x4000;
	v4 =	vadd.s32 v5, v3  }
0xbe: {  	[sflag:s17] =	ssyncset.done $0x0;
	v4 =	vor.u32 v2, v4  }
0xbf: {  	[sflag:s17] =	ssyncadd.s32 $0xFFFFC000  }
0xc0: {  	_ =	swait.ge [sflag:s17], $0x4000  }
0xc1: {  	[sflag:s17] =	ssyncset.done $0x0  }
0xc2: {  	[sflag:s17] =	ssyncadd.s32 $0xFFFFC000  }
0xc3: {  	v4 =	vld.idx.msk [tilespmem:v4+s16+$0x0], $0xffff;
	_ =	sdelay $0x3  }
0xc4: {  	s31 =	simm.s32 $0x10  }
0xc5: {  	v6 =	vor.u32 s31, v0;
	s20 =	simm.s32 $0x20;
	v7 =	vand.u32 $0xFFFFFFF8, v4  }
.LBB2_8:
0xc6: {  	p0 =	sne.s32 s20, $0x9F0;
	v8 =	vshrl.u32 v6, $0x2;
	v9 =	vand.u32 $0x7, v4;
	v5 =	vadd.s32 v5, v7  }
0xc7: {  	v7 =	vmul.u32 $0x3334, v8;
	v5 =	vor.u32 v9, v5;
	_ =	sdelay $0x1  }
0xc8: {  	v7 =	vshrl.u32 v7, $0x10  }
0xc9: {  	v9 =	vmul.u32 $0x18, v1;
	v8 =	vmul.u32 $0xFFFFFFEC, v7;
	v1 =	vmov v7;
	_ =	sdelay $0x1  }
0xca: {  	v6 =	vadd.s32 v6, v8;
	v7 =	vld.idx.msk [tilespmem:v5+s15+$0x0], $0xffff;
	v8 =	vadd.s32 v3, v9  }
0xcb: {  	v5 =	vshll.u32 v1, $0x7;
	v3 =	vand.u32 $0xFFFFFFF8, v6;
	v8 =	vor.u32 v2, v8  }
0xcc: {  	v2 =	vand.u32 $0x7, v6;
	v6 =	vadd.s32 v5, v3;
	v8 =	vadd.s32 $0x2400, v8  }
0xcd: {  	v6 =	vor.u32 v2, v6;
	_ =	sdelay $0x1  }
0xce: {  	vm0 =	vgt.s32 v4, $0x31  }
0xcf: {  	v4 =	vsel vm0, $0x0, v7  }
0xd0: {  	[tilespmem:v8+s18+$0x0] =	vst.idx.msk $0xffff, v4  }
0xd1: {  	v4 =	vld.idx.msk [tilespmem:v6+s16+$0x0], $0xffff;
	_ =	sdelay $0x1  }
.Ltmp3:
0xd2: {  	(pc) =	sbr.rel @p0 .LBB2_8-.Ltmp3, $2  }
0xd3: {  	_ =	sdelay $0x2  }
0xd4: {  	v6 =	vor.u32 s20, v0;
	s20 =	sadd.s32 $0x10, s20;
	v7 =	vand.u32 $0xFFFFFFF8, v4  }
0xd5: {  	v8 =	vshrl.u32 v6, $0x2  }
0xd6: {  	v9 =	vand.u32 $0x7, v4;
	v5 =	vadd.s32 v5, v7;
	v56 =	vmul.u32 $0x3334, v8  }
0xd7: {  	v5 =	vor.u32 v9, v5  }
0xd8: {  	v7 =	vshrl.u32 v56, $0x10  }
0xd9: {  	v1 =	vmul.u32 $0x18, v1;
	v57 =	vmul.u32 $0xFFFFFFEC, v7;
	_ =	sdelay $0x1  }
0xda: {  	v1 =	vadd.s32 v3, v1;
	v58 =	vadd.s32 v6, v57  }
0xdb: {  	v1 =	vor.u32 v2, v1;
	v60 =	vshll.u32 v7, $0x7;
	v3 =	vld.idx.msk [tilespmem:v5+s15+$0x0], $0xffff;
	v59 =	vand.u32 $0xFFFFFFF8, v58  }
0xdc: {  	v1 =	vadd.s32 $0x2400, v1;
	v2 =	vand.u32 $0x7, v58;
	v61 =	vadd.s32 v60, v59  }
0xdd: {  	v6 =	vor.u32 v2, v61;
	_ =	sdelay $0x1  }
0xde: {  	vm0 =	vgt.s32 v4, $0x31  }
0xdf: {  	v3 =	vsel vm0, $0x0, v3  }
0xe0: {  	[tilespmem:v1+s18+$0x0] =	vst.idx.msk $0xffff, v3  }
0xe1: {  	v1 =	vld.idx.msk [tilespmem:v6+s16+$0x0], $0xffff;
	_ =	sdelay $0x4  }
0xe2: {  	v3 =	vand.u32 $0xFFFFFFF8, v1  }
0xe3: {  	v62 =	vand.u32 $0x7, v1;
	v3 =	vadd.s32 v60, v3  }
0xe4: {  	v3 =	vor.u32 v62, v3;
	_ =	sdelay $0x1  }
0xe5: {  	v63 =	vmul.u32 $0x18, v7;
	_ =	sdelay $0x1  }
0xe6: {  	v4 =	vadd.s32 v59, v63  }
0xe7: {  	v2 =	vor.u32 v2, v4;
	v3 =	vld.idx.msk [tilespmem:v3+s15+$0x0], $0xffff  }
0xe8: {  	v2 =	vadd.s32 $0x2400, v2;
	_ =	sdelay $0x2  }
0xe9: {  	s19 =	sadd.s32 $0x1, s19;
	vm15 =	vgt.s32 v1, $0x31  }
0xea: {  	p0 =	sne.s32 s19, s13;
	v1 =	vsel vm15, $0x0, v3  }
.Ltmp4:
0xeb: {  	[tilespmem:v2+s18+$0x0] =	vst.idx.msk $0xffff, v1;
	(pc) =	sbr.rel @p0 .LBB2_1-.Ltmp4, $4  }
0xec: {  	[hbm4b:s12+s2] =	stream.linear.scatter [tilespmem:s18], [sflag:$0x2], $0x3000, $0x38;
	[tilespmem:$0xB080] =	vst v63  }
0xed: {  	_ =	swait.ge [sflag:s14], $0x3000  }
0xee: {  	[sflag:s14] =	ssyncset.done $0x0  }
0xef: {  	[sflag:s14] =	ssyncadd.s32 $0xFFFFD000  }
0xf0: {  	_ =	sfence.sel $0x180000  }
0xf1: {  	[bflag:$0x0] =	sbarrier.arrive $0xFFFF  }
0xf2: {  	p0 =	sne.s32 s0, $0x0;
	_ =	strace $0x9000004A  }
0xf3: {  	s0 =	sadd.s32 @!p0 $0x100000, s1;
	[bflag:$0x2] =	sbarrier.arrive $0xFFFF  }
0xf4: {  	[sflag:s0] =	ssyncadd.tile.s32 @!p0 $0x1;
	_ =	shalt  }
.Lfunc_end2:
_tile_overlayer_lowered:
.L_overlay_start_2:
0xf5: {  	(tag) =	ssettag $0x2  }
0xf6: {  	s0 =	rddreg [dreg:$0x0];
	s2 =	stileid.u32  }
0xf7: {  	s1 =	rddreg [dreg:$0x1];
	p0 =	sne.s32 s2, $0x0  }
0xf8: {  	s3 =	rddreg [dreg:$0x2];
	[bflag:$0x3] =	sbarrier.arrive $0xFFFF;
	s2 =	simm.s32 @!p0 $0x1C02  }
0xf9: {  	[timem:s3], [sflag:s2] =	dma.local @!p0 [hbm:s0], s1  }
0xfa: {  	s0 =	simm.s32 @!p0 $0x2  }
0xfb: {  	_ =	swait.ge @!p0 [sflag:s0], s1  }
0xfc: {  	s1 =	ssub.s32 @!p0 $0x0, s1;
	[sflag:s0] =	ssyncset.done @!p0 $0x0  }
0xfd: {  	[sflag:s0] =	ssyncadd.s32 @!p0 s1  }
0xfe: {  	[bflag:$0x3] =	sbarrier.arrive $0xFFFF  }
0xff: {  	_ =	shalt  }

// kernel: kernel.8.cloned.1.call-start
scs
__scs_entry_jumppad:
0x0: {  	(pc) =	sbr.rel $0x88, $3  }
0x1: {  	(tag) =	ssettag $0x0;
	lr =	simm.s32 $0x1  }
0x2: {  	[smem:$0x3F9C] =	sst lr;
	_ =	strace $0xD0000000  }
0x3: {  	_ = 	snop  }
0x4: {  	_ = 	snop  }
0x5: {  	_ = 	snop  }
0x6: {  	_ = 	snop  }
0x7: {  	_ = 	snop  }
__scs_overlays_trampoline_lowered:
0x8: {  	[smem:$0x3FAB] =	sst s0  }
0x9: {  	[smem:$0x3FAC] =	sst s1  }
0xa: {  	[smem:$0x3FAD] =	sst s2  }
0xb: {  	[smem:$0x3FAE] =	sst s3  }
0xc: {  	[smem:$0x3FAF] =	sst s4  }
0xd: {  	[smem:$0x3FB0] =	sst s5  }
0xe: {  	[smem:$0x3FB1] =	sst s6  }
0xf: {  	[smem:$0x3FB2] =	sst s7  }
0x10: {  	[smem:$0x3FB3] =	sst s8  }
0x11: {  	[smem:$0x3FB4] =	sst s9;
	s0 =	simm.s32 @!p0 $0x0  }
0x12: {  	s1 =	sld [smem:$0x3F9A];
	s0 =	simm.s32 @p0 $0x1  }
0x13: {  	[smem:$0x3FB5] =	sst s0;
	s0 =	simm.s32 @!p1 $0x0  }
0x14: {  	s2 =	sld [smem:$0x3F99];
	s0 =	simm.s32 @p1 $0x1  }
0x15: {  	[smem:$0x3FB6] =	sst s0;
	s0 =	simm.s32 @!p2 $0x0  }
0x16: {  	s3 =	sld [smem:$0x3FDB];
	s0 =	simm.s32 @p2 $0x1  }
0x17: {  	s4 =	simm.s32 $0x1BF5;
	[smem:$0x3FB8] =	sst s0  }
0x18: {  	s0 =	sld [smem:$0x3F9B];
	_ =	swait.ge [sflag:s4], $0x0  }
0x19: {  	s7 =	sld [smem:$0x3F9C]  }
0x1a: {  	s8 =	sadd.s32 $0xFFFFE003, lr  }
0x1b: {  	s9 =	sadd.s32 $0xFFFFFEF7, lr;
	s5 =	simm.s32 $0xFFFFFFFF;
	p2 =	slt.u32 s8, $0xFFFFF086  }
0x1c: {  	p1 =	slt.u32 s9, $0xF7A;
	s5 =	simm.s32 @!p2 $0x0  }
0x1d: {  	s5 =	simm.s32 @p1 $0x1;
	p0 =	seq.s32 s7, s2  }
0x1e: {  	s7 =	smul.u32 @!p0 $0xF7A, s2;
	p2 =	seq.s32 @!p0 s5, $0x0  }
0x1f: {  	s9 =	smul.u32 $0xF7A, s1;
	s8 =	simm.s32 @!p0 $0x1BF5;
	p2 =	por !p2, p0  }
0x20: {  	[sflag:s8] =	ssyncset.s32 @!p0 $0xFFFFF086;
	s6 =	sadd.s32 @!p0 s3, s7;
	s7 =	simm.s32 @!p0 $0x108  }
0x21: {  	s3 =	sadd.s32 s3, s9;
	s6 =	sadd.s32 @!p0 $0x88, s6;
	s7 =	simm.s32 @p2 $0x1082  }
0x22: {  	[simem:s7], [sflag:s8] =	dma.local @!p0 [hbm:s6], $0xF7A  }
0x23: {  	s9 =	sor.u32 $0xD0000000, s2;
	s6 =	simm.s32 $0x108;
	_ =	swait.ge @!p0 [sflag:s8], $0x0  }
0x24: {  	s3 =	sadd.s32 $0x88, s3;
	s6 =	simm.s32 @!p1 $0x1082;
	[sflag:s4] =	ssyncset.s32 $0xFFFFF086  }
0x25: {  	[simem:s6], [sflag:s4] =	dma.local [hbm:s3], $0xF7A  }
0x26: {  	[smem:$0x3F9C] =	sst s1;
	(tag) =	ssettag s2;
	_ =	strace s9  }
0x27: {  	s1 =	sld [smem:$0x3FAC]  }
0x28: {  	s2 =	sld [smem:$0x3FAD]  }
0x29: {  	s4 =	sld [smem:$0x3FAF]  }
0x2a: {  	p0 =	seq.s32 s5, $0x0;
	s5 =	sld [smem:$0x3FB0]  }
0x2b: {  	s6 =	sld [smem:$0x3FB1]  }
0x2c: {  	s7 =	sld [smem:$0x3FB2]  }
0x2d: {  	s3 =	simm.s32 $0x108;
	s8 =	sld [smem:$0x3FB3]  }
0x2e: {  	s3 =	simm.s32 @!p0 $0x1082;
	s9 =	sld [smem:$0x3FB4]  }
0x2f: {  	lr =	sadd.s32 s0, s3;
	s0 =	sld [smem:$0x3FAB]  }
0x30: {  	s3 =	sld [smem:$0x3FAE]  }
0x31: {  	[smem:$0x3FB7] =	sst s10  }
0x32: {  	s10 =	sld [smem:$0x3FB5];
	_ =	sdelay $0x3  }
0x33: {  	p0 =	seq.s32 s10, $0x1;
	s10 =	sld [smem:$0x3FB7];
	_ =	sdelay $0x3  }
0x34: {  	[smem:$0x3FB7] =	sst s10  }
0x35: {  	s10 =	sld [smem:$0x3FB6];
	_ =	sdelay $0x3  }
0x36: {  	p1 =	seq.s32 s10, $0x1;
	s10 =	sld [smem:$0x3FB7];
	_ =	sdelay $0x3  }
0x37: {  	[smem:$0x3FB7] =	sst s10  }
0x38: {  	s10 =	sld [smem:$0x3FB8]  }
0x39: {  	_ = 	snop;
	(pc) =	sbr.ind lr, $3  }
0x3a: {  	_ = 	snop  }
0x3b: {  	_ = 	snop  }
0x3c: {  	p2 =	seq.s32 s10, $0x1;
	s10 =	sld [smem:$0x3FB7]  }
0x3d: {  	_ =	shalt  }
0x3e: {  	_ =	shalt  }
0x3f: {  	_ =	shalt  }
0x40: {  	_ =	shalt  }
0x41: {  	_ =	shalt  }
0x42: {  	_ =	shalt  }
0x43: {  	_ =	shalt  }
0x44: {  	_ =	shalt  }
0x45: {  	_ =	shalt  }
0x46: {  	_ =	shalt  }
0x47: {  	_ =	shalt  }
0x48: {  	_ =	shalt  }
0x49: {  	_ =	shalt  }
0x4a: {  	_ =	shalt  }
0x4b: {  	_ =	shalt  }
0x4c: {  	_ =	shalt  }
0x4d: {  	_ =	shalt  }
0x4e: {  	_ =	shalt  }
0x4f: {  	_ =	shalt  }
0x50: {  	_ =	shalt  }
0x51: {  	_ =	shalt  }
0x52: {  	_ =	shalt  }
0x53: {  	_ =	shalt  }
0x54: {  	_ =	shalt  }
0x55: {  	_ =	shalt  }
0x56: {  	_ =	shalt  }
0x57: {  	_ =	shalt  }
0x58: {  	_ =	shalt  }
0x59: {  	_ =	shalt  }
0x5a: {  	_ =	shalt  }
0x5b: {  	_ =	shalt  }
0x5c: {  	_ =	shalt  }
0x5d: {  	_ =	shalt  }
0x5e: {  	_ =	shalt  }
0x5f: {  	_ =	shalt  }
0x60: {  	_ =	shalt  }
0x61: {  	_ =	shalt  }
0x62: {  	_ =	shalt  }
0x63: {  	_ =	shalt  }
0x64: {  	_ =	shalt  }
0x65: {  	_ =	shalt  }
0x66: {  	_ =	shalt  }
0x67: {  	_ =	shalt  }
0x68: {  	_ =	shalt  }
0x69: {  	_ =	shalt  }
0x6a: {  	_ =	shalt  }
0x6b: {  	_ =	shalt  }
0x6c: {  	_ =	shalt  }
0x6d: {  	_ =	shalt  }
0x6e: {  	_ =	shalt  }
0x6f: {  	_ =	shalt  }
0x70: {  	_ =	shalt  }
0x71: {  	_ =	shalt  }
0x72: {  	_ =	shalt  }
0x73: {  	_ =	shalt  }
0x74: {  	_ =	shalt  }
0x75: {  	_ =	shalt  }
0x76: {  	_ =	shalt  }
0x77: {  	_ =	shalt  }
0x78: {  	_ =	shalt  }
0x79: {  	_ =	shalt  }
0x7a: {  	_ =	shalt  }
0x7b: {  	_ =	shalt  }
0x7c: {  	_ =	shalt  }
0x7d: {  	_ =	shalt  }
0x7e: {  	_ =	shalt  }
0x7f: {  	_ =	shalt  }
0x80: {  	_ =	shalt  }
0x81: {  	_ =	shalt  }
0x82: {  	_ =	shalt  }
0x83: {  	_ =	shalt  }
0x84: {  	_ =	shalt  }
0x85: {  	_ =	shalt  }
0x86: {  	_ =	shalt  }
0x87: {  	_ =	shalt  }
.Lfunc_end0:
.L_simem_size_0:
called_computation_lowered:
.L_overlay_start_0:
0x88: {  	s2 =	sld [smem:$0x3FD9]  }
0x89: {  	s3 =	sld [smem:$0x3FFE];
	_ =	sdelay $0x1  }
0x8a: {  	s1 =	srdreg.scid  }
0x8b: {  	s0 =	sand.u32 $0x1, s1  }
0x8c: {  	s17 =	sshll.u32 s0, $0xA;
	s2 =	sadd.s32 s3, s2  }
0x8d: {  	s2 =	sadd.s32 s2, s17  }
0x8e: {  	[smem:$0x3FC3] =	sst s2  }
0x8f: {  	_ = 	snop  }
0x90: {  	s2 =	sld [smem:$0x3FD0];
	(tm) =	ssettm $0x1  }
0x91: {  	s18 =	sld [smem:$0x3FFB];
	_ =	sdelay $0x3  }
0x92: {  	_ =	strace s18  }
0x93: {  	s3 =	sld [smem:$0x3FFC];
	_ =	sdelay $0x3  }
0x94: {  	_ =	strace s3  }
0x95: {  	s3 =	sld [smem:$0x3FFD];
	_ =	sdelay $0x3  }
0x96: {  	_ =	strace s3  }
0x97: {  	_ =	strace $0x8FFFFFFF  }
0x98: {  	s19 =	sld [smem:$0x3FDB];
	_ =	sdelay $0x1  }
0x99: {  	s4 =	simm.s32 $_scs_section_size  }
0x9a: {  	s5 =	simm.s32 $_size__tile_overlayer_lowered;
	s6 =	simm.s32 $_tile_overlayer_lowered  }
0x9b: {  	s22 =	simm.s32 $0x1BFF;
	s21 =	sshll.u32 s6, $0x1;
	s3 =	sadd.s32 s4, s19  }
0x9c: {  	s7 =	simm.s32 $0x0;
	s20 =	sshll.u32 s5, $0x1;
	s5 =	sadd.s32 s21, s3  }
0x9d: {  	[timem:s7], [sflag:s22] =	dma.local [hbm:s5], s20  }
0x9e: {  	_ =	swait.ge [sflag:s22], s20  }
0x9f: {  	s4 =	ssub.s32 $0x0, s20;
	[sflag:s22] =	ssyncset.done $0x0  }
0xa0: {  	[sflag:s22] =	ssyncadd.s32 s4;
	_ =	sdelay $0x1  }
0xa1: {  	s23 =	simm.s32 $0x1B8B  }
0xa2: {  	_ =	swait.ge [sflag:s23], $0x1  }
0xa3: {  	[sflag:s23] =	ssyncset.done $0x0  }
0xa4: {  	s25 =	simm.s32 $0x1B8E;
	s24 =	sld [smem:$0x3FFE];
	[sflag:s23] =	ssyncadd.s32 $0xFFFFFFFF  }
0xa5: {  	s26 =	simm.s32 $execute0_lowered;
	[smem:$0x3FD2] =	sst s25  }
0xa6: {  	s5 =	sshll.u32 s26, $0x1;
	_ =	strace $0x80000046;
	[dreg:$0x1] =	wrdreg $0xFFFFFFFF  }
0xa7: {  	s28 =	simm.s32 $_size_execute0_lowered;
	s3 =	sadd.s32 s3, s5;
	[dreg:$0x0] =	wrdreg $0x0  }
0xa8: {  	s5 =	sshll.u32 s28, $0x1;
	[dreg:$0x2] =	wrdreg s3  }
0xa9: {  	[dreg:$0x3] =	wrdreg s5  }
0xaa: {  	[dreg:$0x4] =	wrdreg $0xC0  }
0xab: {  	_ =	task [dreg:s7], $0x5FFFF  }
0xac: {  	[dreg:$0x1] =	wrdreg $0xFFFFFFFF  }
0xad: {  	[dreg:$0x0] =	wrdreg $0x60  }
0xae: {  	[dreg:$0x2] =	wrdreg s24  }
0xaf: {  	[dreg:$0x3] =	wrdreg s2  }
0xb0: {  	[dreg:$0x4] =	wrdreg $0x9  }
0xb1: {  	_ =	task.clear_ibuf [dreg:s7], $0x5FFFF;
	_ =	strace $0x90000046  }
0xb2: {  	s29 =	simm.s32 $0x9;
	_ =	strace $0x80000048  }
0xb3: {  	_ =	swait.ge [sflag:s29], $0x1  }
0xb4: {  	[sflag:s29] =	ssyncadd.s32 $0xFFFFFFFF  }
0xb5: {  	_ =	strace $0x90000048  }
0xb6: {  	_ =	sfence  }
0xb7: {  	s30 =	sld [smem:$0x0];
	_ =	sdelay $0x2  }
0xb8: {  	s31 =	sshll.u32 s1, $0xD;
	s1 =	sshrl.u32 s1, $0x2  }
0xb9: {  	s3 =	sand.u32 $0x4000, s31;
	s1 =	sadd.s32 s1, s30  }
0xba: {  	s0 =	sor.u32 s3, s0;
	s1 =	sshll.u32 s1, $0x11  }
0xbb: {  	s0 =	sor.u32 s1, s0  }
0xbc: {  	s0 =	sadd.s32 $0x8F2B, s0  }
0xbd: {  	[sflag:s0] =	ssyncadd.remote.s32 $0x1  }
0xbe: {  	_ =	sfence.sel $0xFFFF  }
0xbf: {  	[dreg:$0x0] =	wrdreg $0xFFFFFFFF;
	(pc) =	sbr.abs _section_cstart, $3  }
0xc0: {  	[dreg:$0x1] =	wrdreg $0xFFFFFFFF  }
0xc1: {  	_ =	task.clear_ibuf [dreg:s7], $0x2FFFF;
	_ =	strace $0x9FFFFFFF  }
0xc2: {  	(tm) =	ssettm $0x7FFFFFFF  }
0xc3: {  	_ =	shalt  }
tec
execute0_lowered:
.L_overlay_start_1:
0x0: {  	(tag) =	ssettag $0x1  }
0x1: {  	s4 =	rddreg [dreg:$0x0]  }
0x2: {  	s12 =	rddreg [dreg:$0x1]  }
0x3: {  	s0 =	rddreg [dreg:$0x2];
	s3 =	srdreg.scid  }
0x4: {  	s1 =	stileid.u32;
	s2 =	simm.s32 $0x0;
	s17 =	simm.s32 $0x80  }
0x5: {  	s18 =	simm.s32 $0x4080;
	s19 =	simm.s32 $0x1;
	s20 =	simm.s32 $0x8080  }
0x6: {  	s5 =	sand.u32 $0x1, s3;
	s21 =	sshll.u32 s1, $0x1;
	[smem:$0x7FF] =	sst s2  }
0x7: {  	s3 =	sadd.s32 $0x3200, s4;
	s10 =	sadd.s32 $0x18B200, s4;
	s6 =	sor.u32 s5, s21  }
0x8: {  	_ =	strace $0x80000047;
	s5 =	ssub.s32 $0x2, s5;
	s21 =	simm.s32 $0xB080  }
0x9: {  	s7 =	smul.u32 $0x600, s6;
	s8 =	sshll.u32 s6, $0x1;
	s22 =	sshrl.u32 s5, $0x1  }
0xa: {  	s23 =	sshll.u32 s6, $0x9;
	s24 =	sshll.u32 s6, $0x6;
	s25 =	sshll.u32 s6, $0xD  }
0xb: {  	s14 =	sadd.s32 s8, s4;
	s15 =	ssub.s32 s5, s22;
	s26 =	sor.u32 $0x80, s23  }
0xc: {  	s5 =	sadd.s32 s12, s25;
	s29 =	sor.u32 $0x100, s23;
	s16 =	sor.u32 $0x180, s23  }
0xd: {  	s22 =	simm.s32 $0xB090;
	s23 =	simm.s32 $0x0;
	s11 =	sadd.s32 s7, s4  }
0xe: {  	s4 =	sadd.s32 s10, s24;
	s28 =	sshrl.u32 s26, $0x3;
	s9 =	sshll.u32 s26, $0x4  }
0xf: {  	s13 =	sshrl.u32 s29, $0x3;
	s30 =	sshrl.u32 s16, $0x3;
	s31 =	sshll.u32 s16, $0x4  }
0x10: {  	s15 =	smax.u32 s15, $0x1;
	s16 =	simm.s32 $0x2;
	s6 =	sadd.s32 s10, s28  }
0x11: {  	s7 =	sadd.s32 s12, s9;
	s9 =	sshll.u32 s29, $0x4;
	s8 =	sadd.s32 s10, s13  }
0x12: {  	s10 =	sadd.s32 s10, s30;
	s11 =	sadd.s32 $0x18BA00, s11;
	s13 =	sadd.s32 $0x197A00, s14  }
0x13: {  	v0 =	vlaneseq.u32;
	s14 =	sadd.s32 $0x197C00, s14;
	s9 =	sadd.s32 s12, s9;
	s12 =	sadd.s32 s12, s31  }
.LBB2_1:
0x14: {  	v1 =	vor.u32 s2, v0  }
0x15: {  	v2 =	vshrl.u32 v1, $0x2  }
0x16: {  	[tilespmem:s2], [sflag:$0x2] =	stream.linear.gather [hbm4b:s4+s2], $0x80, $0x38;
	v2 =	vmul.u32 $0x3334, v2;
	[tilespmem:$0xB0A0] =	vst v63  }
0x17: {  	_ =	swait.ge [sflag:s16], $0x80  }
0x18: {  	[sflag:s16] =	ssyncset.done $0x0;
	v3 =	vshrl.u32 v2, $0x10  }
0x19: {  	[sflag:s16] =	ssyncadd.s32 $0xFFFFFF80;
	v2 =	vmul.u32 $0xFFFFFFEC, v3  }
0x1a: {  	[tilespmem:s17], [sflag:$0x1] =	stream.indirect.gather [hbm4b:s3+s17], $0x80, s2, s17, $0xb8;
	[tilespmem:$0xB0A0] =	vst v63  }
0x1b: {  	v1 =	vadd.s32 v1, v2  }
0x1c: {  	v7 =	vshll.u32 v3, $0x7;
	[tilespmem:s18], [sflag:$0x1] =	stream.linear.gather [hbm4b:s5+s2], $0x4000, $0x38;
	v4 =	vand.u32 $0xFFFFFFF8, v1;
	[tilespmem:$0xB0A0] =	vst v63  }
0x1d: {  	_ =	swait.ge [sflag:s19], $0x4000;
	v5 =	vand.u32 $0x7, v1;
	v1 =	vadd.s32 v7, v4  }
0x1e: {  	[sflag:s19] =	ssyncset.done $0x0;
	v1 =	vor.u32 v5, v1  }
0x1f: {  	[sflag:s19] =	ssyncadd.s32 $0xFFFFC000  }
0x20: {  	_ =	swait.ge [sflag:s19], $0x4000  }
0x21: {  	[sflag:s19] =	ssyncset.done $0x0  }
0x22: {  	[sflag:s19] =	ssyncadd.s32 $0xFFFFC000  }
0x23: {  	v6 =	vld.idx.msk [tilespmem:v1+s18+$0x0], $0xffff;
	_ =	sdelay $0x2  }
0x24: {  	s24 =	simm.s32 $0x10  }
0x25: {  	v8 =	vor.u32 s24, v0  }
0x26: {  	s24 =	simm.s32 $0x20;
	v2 =	vimm.f32 $-Inf;
	v1 =	vimm.f32 $+Inf;
	v9 =	vand.u32 $0xFFFFFFF8, v6  }
.LBB2_2:
0x27: {  	p0 =	sne.s32 s24, $0x9F0;
	v10 =	vshrl.u32 v8, $0x2;
	v11 =	vand.u32 $0x7, v6;
	v7 =	vadd.s32 v7, v9  }
0x28: {  	v9 =	vmul.u32 $0x3334, v10;
	v7 =	vor.u32 v11, v7;
	_ =	sdelay $0x1  }
0x29: {  	v9 =	vshrl.u32 v9, $0x10  }
0x2a: {  	v10 =	vmul.u32 $0xFFFFFFEC, v9  }
0x2b: {  	v11 =	vmul.u32 $0x18, v3;
	v3 =	vmov v9  }
0x2c: {  	v8 =	vadd.s32 v8, v10;
	v9 =	vld.idx.msk [tilespmem:v7+s17+$0x0], $0xffff  }
0x2d: {  	v7 =	vshll.u32 v3, $0x7;
	v10 =	vadd.s32 v11, v4;
	v4 =	vand.u32 $0xFFFFFFF8, v8  }
0x2e: {  	v10 =	vor.u32 v5, v10;
	v5 =	vand.u32 $0x7, v8;
	v11 =	vadd.s32 v7, v4  }
0x2f: {  	v8 =	vor.u32 v5, v11;
	_ =	sdelay $0x1  }
0x30: {  	vm0 =	vgt.s32 v6, $0x31  }
0x31: {  	v6 =	vsel vm0, $0x0, v9  }
0x32: {  	v1 =	vmin.f32 v1, v6;
	v2 =	vmax.f32 v2, v6;
	[tilespmem:v10+s20+$0x0] =	vst.idx.msk $0xffff, v6  }
0x33: {  	v6 =	vld.idx.msk [tilespmem:v8+s18+$0x0], $0xffff;
	_ =	sdelay $0x1  }
.Ltmp0:
0x34: {  	(pc) =	sbr.rel @p0 .LBB2_2-.Ltmp0, $2  }
0x35: {  	_ =	sdelay $0x2  }
0x36: {  	v8 =	vor.u32 s24, v0;
	s24 =	sadd.s32 $0x10, s24;
	v9 =	vand.u32 $0xFFFFFFF8, v6  }
0x37: {  	v10 =	vshrl.u32 v8, $0x2  }
0x38: {  	v11 =	vand.u32 $0x7, v6;
	v7 =	vadd.s32 v7, v9;
	v9 =	vmul.u32 $0x3334, v10  }
0x39: {  	v7 =	vor.u32 v11, v7  }
0x3a: {  	v9 =	vshrl.u32 v9, $0x10  }
0x3b: {  	v10 =	vmul.u32 $0xFFFFFFEC, v9  }
0x3c: {  	v3 =	vmul.u32 $0x18, v3  }
0x3d: {  	v8 =	vadd.s32 v8, v10  }
0x3e: {  	v3 =	vadd.s32 v3, v4;
	v11 =	vshll.u32 v9, $0x7;
	v7 =	vld.idx.msk [tilespmem:v7+s17+$0x0], $0xffff;
	v10 =	vand.u32 $0xFFFFFFF8, v8  }
0x3f: {  	v3 =	vor.u32 v5, v3;
	v4 =	vand.u32 $0x7, v8;
	v8 =	vadd.s32 v11, v10  }
0x40: {  	v5 =	vor.u32 v4, v8;
	_ =	sdelay $0x1  }
0x41: {  	vm0 =	vgt.s32 v6, $0x31  }
0x42: {  	v8 =	vsel vm0, $0x0, v7  }
0x43: {  	[tilespmem:v3+s20+$0x0] =	vst.idx.msk $0xffff, v8  }
0x44: {  	v3 =	vld.idx.msk [tilespmem:v5+s18+$0x0], $0xffff;
	_ =	sdelay $0x4  }
0x45: {  	v5 =	vand.u32 $0xFFFFFFF8, v3  }
0x46: {  	v6 =	vand.u32 $0x7, v3;
	v5 =	vadd.s32 v11, v5  }
0x47: {  	v5 =	vor.u32 v6, v5;
	_ =	sdelay $0x2  }
0x48: {  	v6 =	vmul.u32 $0x18, v9;
	_ =	sdelay $0x1  }
0x49: {  	v6 =	vadd.s32 v6, v10;
	v5 =	vld.idx.msk [tilespmem:v5+s17+$0x0], $0xffff  }
0x4a: {  	v4 =	vor.u32 v4, v6;
	_ =	sdelay $0x2  }
0x4b: {  	s24 =	simm.s32 $0x0;
	vm15 =	vgt.s32 v3, $0x31  }
0x4c: {  	v9 =	vsel vm15, $0x0, v5;
	v5 =	vor.u32 s24, v0  }
0x4d: {  	[tilespmem:v4+s20+$0x0] =	vst.idx.msk $0xffff, v9;
	v3 =	vshrl.u32 v5, $0x2  }
0x4e: {  	[tilespmem:s24], [sflag:$0x2] =	stream.linear.gather [hbm4b:s6+s24], $0x80, $0x38;
	v3 =	vmul.u32 $0x3334, v3;
	[tilespmem:$0xB0A0] =	vst v63  }
0x4f: {  	_ =	swait.ge [sflag:s16], $0x80  }
0x50: {  	[sflag:s16] =	ssyncset.done $0x0;
	v3 =	vshrl.u32 v3, $0x10  }
0x51: {  	[sflag:s16] =	ssyncadd.s32 $0xFFFFFF80;
	v4 =	vmul.u32 $0xFFFFFFEC, v3  }
0x52: {  	[tilespmem:s17], [sflag:$0x1] =	stream.indirect.gather [hbm4b:s3+s17], $0x80, s24, s17, $0xb8;
	[tilespmem:$0xB0A0] =	vst v63  }
0x53: {  	v4 =	vadd.s32 v5, v4  }
0x54: {  	v7 =	vshll.u32 v3, $0x7;
	[tilespmem:s18], [sflag:$0x1] =	stream.linear.gather [hbm4b:s7+s24], $0x4000, $0x38;
	v5 =	vand.u32 $0xFFFFFFF8, v4;
	[tilespmem:$0xB0A0] =	vst v63  }
0x55: {  	v4 =	vand.u32 $0x7, v4;
	_ =	swait.ge [sflag:s19], $0x4000;
	v6 =	vadd.s32 v7, v5  }
0x56: {  	[sflag:s19] =	ssyncset.done $0x0;
	v6 =	vor.u32 v4, v6  }
0x57: {  	[sflag:s19] =	ssyncadd.s32 $0xFFFFC000  }
0x58: {  	_ =	swait.ge [sflag:s19], $0x4000  }
0x59: {  	[sflag:s19] =	ssyncset.done $0x0  }
0x5a: {  	[sflag:s19] =	ssyncadd.s32 $0xFFFFC000  }
0x5b: {  	v6 =	vld.idx.msk [tilespmem:v6+s18+$0x0], $0xffff;
	_ =	sdelay $0x2  }
0x5c: {  	s31 =	simm.s32 $0x10  }
0x5d: {  	v1 =	vmin.f32 v1, v8;
	v2 =	vmax.f32 v2, v8;
	v8 =	vor.u32 s31, v0  }
0x5e: {  	v1 =	vmin.f32 v1, v9;
	v2 =	vmax.f32 v2, v9;
	s24 =	simm.s32 $0x20;
	v9 =	vand.u32 $0xFFFFFFF8, v6  }
.LBB2_4:
0x5f: {  	p0 =	sne.s32 s24, $0x9F0;
	v10 =	vshrl.u32 v8, $0x2;
	v11 =	vand.u32 $0x7, v6;
	v7 =	vadd.s32 v7, v9  }
0x60: {  	v9 =	vmul.u32 $0x3334, v10;
	v7 =	vor.u32 v11, v7;
	_ =	sdelay $0x1  }
0x61: {  	v9 =	vshrl.u32 v9, $0x10  }
0x62: {  	v11 =	vmul.u32 $0x18, v3;
	v10 =	vmul.u32 $0xFFFFFFEC, v9;
	v3 =	vmov v9;
	_ =	sdelay $0x1  }
0x63: {  	v8 =	vadd.s32 v8, v10;
	v9 =	vld.idx.msk [tilespmem:v7+s17+$0x0], $0xffff;
	v10 =	vadd.s32 v5, v11  }
0x64: {  	v7 =	vshll.u32 v3, $0x7;
	v5 =	vand.u32 $0xFFFFFFF8, v8;
	v10 =	vor.u32 v4, v10  }
0x65: {  	v4 =	vand.u32 $0x7, v8;
	v8 =	vadd.s32 v7, v5;
	v10 =	vadd.s32 $0xC00, v10  }
0x66: {  	v8 =	vor.u32 v4, v8;
	_ =	sdelay $0x1  }
0x67: {  	vm0 =	vgt.s32 v6, $0x31  }
0x68: {  	v6 =	vsel vm0, $0x0, v9  }
0x69: {  	v1 =	vmin.f32 v1, v6;
	v2 =	vmax.f32 v2, v6;
	[tilespmem:v10+s20+$0x0] =	vst.idx.msk $0xffff, v6  }
0x6a: {  	v6 =	vld.idx.msk [tilespmem:v8+s18+$0x0], $0xffff;
	_ =	sdelay $0x1  }
.Ltmp1:
0x6b: {  	(pc) =	sbr.rel @p0 .LBB2_4-.Ltmp1, $2  }
0x6c: {  	_ =	sdelay $0x2  }
0x6d: {  	v8 =	vor.u32 s24, v0;
	s24 =	sadd.s32 $0x10, s24;
	v9 =	vand.u32 $0xFFFFFFF8, v6  }
0x6e: {  	v10 =	vshrl.u32 v8, $0x2  }
0x6f: {  	v11 =	vand.u32 $0x7, v6;
	v7 =	vadd.s32 v7, v9;
	v9 =	vmul.u32 $0x3334, v10  }
0x70: {  	v7 =	vor.u32 v11, v7  }
0x71: {  	v9 =	vshrl.u32 v9, $0x10  }
0x72: {  	v3 =	vmul.u32 $0x18, v3;
	v10 =	vmul.u32 $0xFFFFFFEC, v9;
	_ =	sdelay $0x1  }
0x73: {  	v3 =	vadd.s32 v5, v3;
	v8 =	vadd.s32 v8, v10  }
0x74: {  	v3 =	vor.u32 v4, v3;
	v5 =	vld.idx.msk [tilespmem:v7+s17+$0x0], $0xffff;
	v10 =	vshll.u32 v9, $0x7;
	v7 =	vand.u32 $0xFFFFFFF8, v8  }
0x75: {  	v3 =	vadd.s32 $0xC00, v3;
	v4 =	vand.u32 $0x7, v8;
	v8 =	vadd.s32 v10, v7  }
0x76: {  	v8 =	vor.u32 v4, v8;
	_ =	sdelay $0x1  }
0x77: {  	vm0 =	vgt.s32 v6, $0x31  }
0x78: {  	v11 =	vsel vm0, $0x0, v5  }
0x79: {  	[tilespmem:v3+s20+$0x0] =	vst.idx.msk $0xffff, v11  }
0x7a: {  	v3 =	vld.idx.msk [tilespmem:v8+s18+$0x0], $0xffff;
	_ =	sdelay $0x4  }
0x7b: {  	v5 =	vand.u32 $0xFFFFFFF8, v3  }
0x7c: {  	v6 =	vand.u32 $0x7, v3;
	v5 =	vadd.s32 v10, v5  }
0x7d: {  	v5 =	vor.u32 v6, v5;
	_ =	sdelay $0x1  }
0x7e: {  	v6 =	vmul.u32 $0x18, v9;
	_ =	sdelay $0x1  }
0x7f: {  	v6 =	vadd.s32 v7, v6  }
0x80: {  	v4 =	vor.u32 v4, v6;
	v5 =	vld.idx.msk [tilespmem:v5+s17+$0x0], $0xffff  }
0x81: {  	v4 =	vadd.s32 $0xC00, v4;
	_ =	sdelay $0x2  }
0x82: {  	s24 =	simm.s32 $0x0;
	vm15 =	vgt.s32 v3, $0x31  }
0x83: {  	v8 =	vsel vm15, $0x0, v5;
	v5 =	vor.u32 s24, v0  }
0x84: {  	[tilespmem:v4+s20+$0x0] =	vst.idx.msk $0xffff, v8;
	v3 =	vshrl.u32 v5, $0x2  }
0x85: {  	[tilespmem:s24], [sflag:$0x2] =	stream.linear.gather [hbm4b:s8+s24], $0x80, $0x38;
	v3 =	vmul.u32 $0x3334, v3;
	[tilespmem:$0xB0A0] =	vst v63  }
0x86: {  	_ =	swait.ge [sflag:s16], $0x80  }
0x87: {  	[sflag:s16] =	ssyncset.done $0x0;
	v3 =	vshrl.u32 v3, $0x10  }
0x88: {  	[sflag:s16] =	ssyncadd.s32 $0xFFFFFF80;
	v4 =	vmul.u32 $0xFFFFFFEC, v3  }
0x89: {  	[tilespmem:s17], [sflag:$0x1] =	stream.indirect.gather [hbm4b:s3+s17], $0x80, s24, s17, $0xb8;
	[tilespmem:$0xB0A0] =	vst v63  }
0x8a: {  	v4 =	vadd.s32 v5, v4  }
0x8b: {  	v7 =	vshll.u32 v3, $0x7;
	[tilespmem:s18], [sflag:$0x1] =	stream.linear.gather [hbm4b:s9+s24], $0x4000, $0x38;
	v5 =	vand.u32 $0xFFFFFFF8, v4;
	[tilespmem:$0xB0A0] =	vst v63  }
0x8c: {  	v4 =	vand.u32 $0x7, v4;
	_ =	swait.ge [sflag:s19], $0x4000;
	v6 =	vadd.s32 v7, v5  }
0x8d: {  	[sflag:s19] =	ssyncset.done $0x0;
	v6 =	vor.u32 v4, v6  }
0x8e: {  	[sflag:s19] =	ssyncadd.s32 $0xFFFFC000  }
0x8f: {  	_ =	swait.ge [sflag:s19], $0x4000  }
0x90: {  	[sflag:s19] =	ssyncset.done $0x0  }
0x91: {  	[sflag:s19] =	ssyncadd.s32 $0xFFFFC000  }
0x92: {  	v6 =	vld.idx.msk [tilespmem:v6+s18+$0x0], $0xffff;
	_ =	sdelay $0x2  }
0x93: {  	v1 =	vmin.f32 v1, v11  }
0x94: {  	s31 =	simm.s32 $0x10;
	v2 =	vmax.f32 v2, v11;
	v1 =	vmin.f32 v1, v8  }
0x95: {  	v2 =	vmax.f32 v2, v8;
	v8 =	vor.u32 s31, v0;
	s24 =	simm.s32 $0x20;
	v9 =	vand.u32 $0xFFFFFFF8, v6  }
.LBB2_6:
0x96: {  	p0 =	sne.s32 s24, $0x9F0;
	v10 =	vshrl.u32 v8, $0x2;
	v11 =	vand.u32 $0x7, v6;
	v7 =	vadd.s32 v7, v9  }
0x97: {  	v9 =	vmul.u32 $0x3334, v10;
	v7 =	vor.u32 v11, v7;
	_ =	sdelay $0x1  }
0x98: {  	v9 =	vshrl.u32 v9, $0x10  }
0x99: {  	v11 =	vmul.u32 $0x18, v3;
	v10 =	vmul.u32 $0xFFFFFFEC, v9;
	v3 =	vmov v9;
	_ =	sdelay $0x1  }
0x9a: {  	v8 =	vadd.s32 v8, v10;
	v9 =	vld.idx.msk [tilespmem:v7+s17+$0x0], $0xffff;
	v10 =	vadd.s32 v5, v11  }
0x9b: {  	v7 =	vshll.u32 v3, $0x7;
	v5 =	vand.u32 $0xFFFFFFF8, v8;
	v10 =	vor.u32 v4, v10  }
0x9c: {  	v4 =	vand.u32 $0x7, v8;
	v8 =	vadd.s32 v7, v5;
	v10 =	vadd.s32 $0x1800, v10  }
0x9d: {  	v8 =	vor.u32 v4, v8;
	_ =	sdelay $0x1  }
0x9e: {  	vm0 =	vgt.s32 v6, $0x31  }
0x9f: {  	v6 =	vsel vm0, $0x0, v9  }
0xa0: {  	v1 =	vmin.f32 v1, v6;
	v2 =	vmax.f32 v2, v6;
	[tilespmem:v10+s20+$0x0] =	vst.idx.msk $0xffff, v6  }
0xa1: {  	v6 =	vld.idx.msk [tilespmem:v8+s18+$0x0], $0xffff;
	_ =	sdelay $0x1  }
.Ltmp2:
0xa2: {  	(pc) =	sbr.rel @p0 .LBB2_6-.Ltmp2, $2  }
0xa3: {  	_ =	sdelay $0x2  }
0xa4: {  	v8 =	vor.u32 s24, v0;
	s24 =	sadd.s32 $0x10, s24;
	v9 =	vand.u32 $0xFFFFFFF8, v6  }
0xa5: {  	v10 =	vshrl.u32 v8, $0x2  }
0xa6: {  	v11 =	vand.u32 $0x7, v6;
	v7 =	vadd.s32 v7, v9;
	v9 =	vmul.u32 $0x3334, v10  }
0xa7: {  	v7 =	vor.u32 v11, v7  }
0xa8: {  	v9 =	vshrl.u32 v9, $0x10  }
0xa9: {  	v3 =	vmul.u32 $0x18, v3;
	v10 =	vmul.u32 $0xFFFFFFEC, v9;
	_ =	sdelay $0x1  }
0xaa: {  	v3 =	vadd.s32 v5, v3;
	v8 =	vadd.s32 v8, v10  }
0xab: {  	v3 =	vor.u32 v4, v3;
	v5 =	vld.idx.msk [tilespmem:v7+s17+$0x0], $0xffff;
	v10 =	vshll.u32 v9, $0x7;
	v7 =	vand.u32 $0xFFFFFFF8, v8  }
0xac: {  	v3 =	vadd.s32 $0x1800, v3;
	v4 =	vand.u32 $0x7, v8;
	v8 =	vadd.s32 v10, v7  }
0xad: {  	v8 =	vor.u32 v4, v8;
	_ =	sdelay $0x1  }
0xae: {  	vm0 =	vgt.s32 v6, $0x31  }
0xaf: {  	v11 =	vsel vm0, $0x0, v5  }
0xb0: {  	[tilespmem:v3+s20+$0x0] =	vst.idx.msk $0xffff, v11  }
0xb1: {  	v3 =	vld.idx.msk [tilespmem:v8+s18+$0x0], $0xffff;
	_ =	sdelay $0x4  }
0xb2: {  	v5 =	vand.u32 $0xFFFFFFF8, v3  }
0xb3: {  	v6 =	vand.u32 $0x7, v3;
	v5 =	vadd.s32 v10, v5  }
0xb4: {  	v5 =	vor.u32 v6, v5;
	_ =	sdelay $0x1  }
0xb5: {  	v6 =	vmul.u32 $0x18, v9;
	_ =	sdelay $0x1  }
0xb6: {  	v6 =	vadd.s32 v7, v6  }
0xb7: {  	v4 =	vor.u32 v4, v6;
	v5 =	vld.idx.msk [tilespmem:v5+s17+$0x0], $0xffff  }
0xb8: {  	v4 =	vadd.s32 $0x1800, v4;
	_ =	sdelay $0x2  }
0xb9: {  	s24 =	simm.s32 $0x0;
	vm15 =	vgt.s32 v3, $0x31  }
0xba: {  	v8 =	vsel vm15, $0x0, v5;
	v5 =	vor.u32 s24, v0  }
0xbb: {  	[tilespmem:v4+s20+$0x0] =	vst.idx.msk $0xffff, v8;
	v3 =	vshrl.u32 v5, $0x2  }
0xbc: {  	[tilespmem:s24], [sflag:$0x2] =	stream.linear.gather [hbm4b:s10+s24], $0x80, $0x38;
	v3 =	vmul.u32 $0x3334, v3;
	[tilespmem:$0xB0A0] =	vst v63  }
0xbd: {  	_ =	swait.ge [sflag:s16], $0x80  }
0xbe: {  	[sflag:s16] =	ssyncset.done $0x0;
	v3 =	vshrl.u32 v3, $0x10  }
0xbf: {  	[sflag:s16] =	ssyncadd.s32 $0xFFFFFF80;
	v4 =	vmul.u32 $0xFFFFFFEC, v3  }
0xc0: {  	[tilespmem:s17], [sflag:$0x1] =	stream.indirect.gather [hbm4b:s3+s17], $0x80, s24, s17, $0xb8;
	[tilespmem:$0xB0A0] =	vst v63  }
0xc1: {  	v4 =	vadd.s32 v5, v4  }
0xc2: {  	v7 =	vshll.u32 v3, $0x7;
	[tilespmem:s18], [sflag:$0x1] =	stream.linear.gather [hbm4b:s12+s24], $0x4000, $0x38;
	v5 =	vand.u32 $0xFFFFFFF8, v4;
	[tilespmem:$0xB0A0] =	vst v63  }
0xc3: {  	v4 =	vand.u32 $0x7, v4;
	_ =	swait.ge [sflag:s19], $0x4000;
	v6 =	vadd.s32 v7, v5  }
0xc4: {  	[sflag:s19] =	ssyncset.done $0x0;
	v6 =	vor.u32 v4, v6  }
0xc5: {  	[sflag:s19] =	ssyncadd.s32 $0xFFFFC000  }
0xc6: {  	_ =	swait.ge [sflag:s19], $0x4000  }
0xc7: {  	[sflag:s19] =	ssyncset.done $0x0  }
0xc8: {  	[sflag:s19] =	ssyncadd.s32 $0xFFFFC000  }
0xc9: {  	v6 =	vld.idx.msk [tilespmem:v6+s18+$0x0], $0xffff;
	_ =	sdelay $0x2  }
0xca: {  	v1 =	vmin.f32 v1, v11  }
0xcb: {  	s31 =	simm.s32 $0x10;
	v2 =	vmax.f32 v2, v11;
	v1 =	vmin.f32 v1, v8  }
0xcc: {  	v2 =	vmax.f32 v2, v8;
	v8 =	vor.u32 s31, v0;
	s24 =	simm.s32 $0x20;
	v9 =	vand.u32 $0xFFFFFFF8, v6  }
.LBB2_8:
0xcd: {  	p0 =	sne.s32 s24, $0x9F0;
	v10 =	vshrl.u32 v8, $0x2;
	v11 =	vand.u32 $0x7, v6;
	v7 =	vadd.s32 v7, v9  }
0xce: {  	v9 =	vmul.u32 $0x3334, v10;
	v7 =	vor.u32 v11, v7;
	_ =	sdelay $0x1  }
0xcf: {  	v9 =	vshrl.u32 v9, $0x10  }
0xd0: {  	v11 =	vmul.u32 $0x18, v3;
	v10 =	vmul.u32 $0xFFFFFFEC, v9;
	v3 =	vmov v9;
	_ =	sdelay $0x1  }
0xd1: {  	v8 =	vadd.s32 v8, v10;
	v9 =	vld.idx.msk [tilespmem:v7+s17+$0x0], $0xffff;
	v10 =	vadd.s32 v5, v11  }
0xd2: {  	v7 =	vshll.u32 v3, $0x7;
	v5 =	vand.u32 $0xFFFFFFF8, v8;
	v10 =	vor.u32 v4, v10  }
0xd3: {  	v4 =	vand.u32 $0x7, v8;
	v8 =	vadd.s32 v7, v5;
	v10 =	vadd.s32 $0x2400, v10  }
0xd4: {  	v8 =	vor.u32 v4, v8;
	_ =	sdelay $0x1  }
0xd5: {  	vm0 =	vgt.s32 v6, $0x31  }
0xd6: {  	v6 =	vsel vm0, $0x0, v9  }
0xd7: {  	v1 =	vmin.f32 v1, v6;
	v2 =	vmax.f32 v2, v6;
	[tilespmem:v10+s20+$0x0] =	vst.idx.msk $0xffff, v6  }
0xd8: {  	v6 =	vld.idx.msk [tilespmem:v8+s18+$0x0], $0xffff;
	_ =	sdelay $0x1  }
.Ltmp3:
0xd9: {  	(pc) =	sbr.rel @p0 .LBB2_8-.Ltmp3, $2  }
0xda: {  	_ =	sdelay $0x2  }
0xdb: {  	v8 =	vor.u32 s24, v0;
	s24 =	sadd.s32 $0x10, s24;
	v9 =	vand.u32 $0xFFFFFFF8, v6  }
0xdc: {  	v10 =	vshrl.u32 v8, $0x2  }
0xdd: {  	v11 =	vand.u32 $0x7, v6;
	v7 =	vadd.s32 v7, v9;
	v54 =	vmul.u32 $0x3334, v10  }
0xde: {  	v7 =	vor.u32 v11, v7  }
0xdf: {  	v9 =	vshrl.u32 v54, $0x10  }
0xe0: {  	v3 =	vmul.u32 $0x18, v3;
	v55 =	vmul.u32 $0xFFFFFFEC, v9;
	_ =	sdelay $0x1  }
0xe1: {  	v3 =	vadd.s32 v5, v3;
	v56 =	vadd.s32 v8, v55  }
0xe2: {  	v3 =	vor.u32 v4, v3;
	v59 =	vshll.u32 v9, $0x7;
	v57 =	vld.idx.msk [tilespmem:v7+s17+$0x0], $0xffff;
	v58 =	vand.u32 $0xFFFFFFF8, v56  }
0xe3: {  	v3 =	vadd.s32 $0x2400, v3;
	v60 =	vand.u32 $0x7, v56;
	v61 =	vadd.s32 v59, v58  }
0xe4: {  	v8 =	vor.u32 v60, v61;
	_ =	sdelay $0x1  }
0xe5: {  	vm0 =	vgt.s32 v6, $0x31  }
0xe6: {  	v5 =	vsel vm0, $0x0, v57  }
0xe7: {  	[tilespmem:v3+s20+$0x0] =	vst.idx.msk $0xffff, v5  }
0xe8: {  	v3 =	vld.idx.msk [tilespmem:v8+s18+$0x0], $0xffff;
	_ =	sdelay $0x4  }
0xe9: {  	v62 =	vand.u32 $0xFFFFFFF8, v3  }
0xea: {  	v8 =	vand.u32 $0x7, v3;
	v6 =	vadd.s32 v59, v62  }
0xeb: {  	v6 =	vor.u32 v8, v6;
	_ =	sdelay $0x1  }
0xec: {  	v63 =	vmul.u32 $0x18, v9;
	_ =	sdelay $0x1  }
0xed: {  	v7 =	vadd.s32 v58, v63  }
0xee: {  	v4 =	vor.u32 v60, v7;
	v6 =	vld.idx.msk [tilespmem:v6+s17+$0x0], $0xffff  }
0xef: {  	v4 =	vadd.s32 $0x2400, v4;
	_ =	sdelay $0x2  }
0xf0: {  	vm15 =	vgt.s32 v3, $0x31  }
0xf1: {  	v3 =	vsel vm15, $0x0, v6  }
0xf2: {  	[tilespmem:v4+s20+$0x0] =	vst.idx.msk $0xffff, v3  }
0xf3: {  	[hbm4b:s11+s2] =	stream.linear.scatter [tilespmem:s20], [sflag:$0x2], $0x3000, $0x38;
	[tilespmem:$0xB0A0] =	vst v63  }
0xf4: {  	_ =	swait.ge [sflag:s16], $0x3000  }
0xf5: {  	v1 =	vmin.f32 v1, v5;
	[sflag:s16] =	ssyncset.done $0x0  }
0xf6: {  	v2 =	vmax.f32 v2, v5;
	v1 =	vmin.f32 v1, v3;
	[sflag:s16] =	ssyncadd.s32 $0xFFFFD000  }
0xf7: {  	v2 =	vmax.f32 v2, v3;
	[tilespmem:$0xB080] =	vst v1  }
0xf8: {  	[tilespmem:$0xB090] =	vst v2  }
0xf9: {  	[hbm4b:s13+s2] =	stream.linear.scatter [tilespmem:s21], [sflag:$0x2], $0x10, $0x38;
	[tilespmem:$0xB0A0] =	vst v63  }
0xfa: {  	s23 =	sadd.s32 $0x1, s23;
	_ =	swait.ge [sflag:s16], $0x10  }
0xfb: {  	p0 =	sne.s32 s23, s15;
	[sflag:s16] =	ssyncset.done $0x0  }
.Ltmp4:
0xfc: {  	[sflag:s16] =	ssyncadd.s32 $0xFFFFFFF0;
	(pc) =	sbr.rel @p0 .LBB2_1-.Ltmp4, $4  }
0xfd: {  	[hbm4b:s14+s2] =	stream.linear.scatter [tilespmem:s22], [sflag:$0x2], $0x10, $0x38;
	[tilespmem:$0xB0A0] =	vst v63  }
0xfe: {  	_ =	swait.ge [sflag:s16], $0x10  }
0xff: {  	[sflag:s16] =	ssyncset.done $0x0  }
0x100: {  	[sflag:s16] =	ssyncadd.s32 $0xFFFFFFF0  }
0x101: {  	_ =	sfence.sel $0x180000  }
0x102: {  	[bflag:$0x0] =	sbarrier.arrive $0xFFFF  }
0x103: {  	p0 =	sne.s32 s1, $0x0;
	_ =	strace $0x90000047  }
0x104: {  	s0 =	sadd.s32 @!p0 $0x100000, s0;
	[bflag:$0x2] =	sbarrier.arrive $0xFFFF  }
0x105: {  	[sflag:s0] =	ssyncadd.tile.s32 @!p0 $0x1;
	_ =	shalt  }
.Lfunc_end2:
_tile_overlayer_lowered:
.L_overlay_start_2:
0x106: {  	(tag) =	ssettag $0x2  }
0x107: {  	s0 =	rddreg [dreg:$0x0];
	s2 =	stileid.u32  }
0x108: {  	s1 =	rddreg [dreg:$0x1];
	p0 =	sne.s32 s2, $0x0  }
0x109: {  	s3 =	rddreg [dreg:$0x2];
	[bflag:$0x3] =	sbarrier.arrive $0xFFFF;
	s2 =	simm.s32 @!p0 $0x1C02  }
0x10a: {  	[timem:s3], [sflag:s2] =	dma.local @!p0 [hbm:s0], s1  }
0x10b: {  	s0 =	simm.s32 @!p0 $0x2  }
0x10c: {  	_ =	swait.ge @!p0 [sflag:s0], s1  }
0x10d: {  	s1 =	ssub.s32 @!p0 $0x0, s1;
	[sflag:s0] =	ssyncset.done @!p0 $0x0  }
0x10e: {  	[sflag:s0] =	ssyncadd.s32 @!p0 s1  }
0x10f: {  	[bflag:$0x3] =	sbarrier.arrive $0xFFFF  }
0x110: {  	_ =	shalt  }

</sc_bundles>
